<compile_context>
chip_gen: v7x
topology: tpu7x:2x2x1
jax: 0.10.2.dev20260603
libtpu: 0.0.44.dev20260713+nightly
codegen_flags: <defaults>
</compile_context>

<pallas_src>
import functools

import jax
import jax.numpy as jnp
from jax import lax
from jax.experimental import pallas as pl
from jax.experimental.pallas import tpu as pltpu
from jax.experimental.pallas import tpu_sc as plsc

_PREC = lax.Precision.DEFAULT
_DN = (((1,), (0,)), ((), ()))


def _dot(a, b, xcast=False):
    if xcast:
        a = a.astype(jnp.bfloat16)
    return lax.dot_general(a, b, _DN, precision=_PREC,
                           preferred_element_type=jnp.float32)


def _ceil8(n):
    return (n + 7) // 8 * 8


def _flat_in(img, offs_hw, m_pad=None):
    n, h, w, c = img.shape
    hp, wp = h + 2, w + 2
    xp = jnp.pad(img, ((0, 0), (1, 1), (1, 1), (0, 0)))
    flat = xp.reshape(n, hp * wp, c)
    max_off = max(du * wp + dv for du, dv in offs_hw)
    m = m_pad if m_pad is not None else h * wp
    L = _ceil8(m + max_off + 8)
    return jnp.pad(flat, ((0, 0), (0, L - hp * wp), (0, 0))), wp


def _unflat(y, ho, wp, wo):
    n = y.shape[0]
    c = y.shape[-1]
    return y.reshape(n, ho, wp, c)[:, :, :wo, :]


def _conv_call(xflat, wt, bias, offs, M, relu_in=False, relu_out=False,
               target=None, wp=None, wo=None, nch=1, m_valid=None):
    N, L, Cin = xflat.shape
    T, _, Cout = wt.shape
    with_loss = target is not None
    assert M % nch == 0
    chunk = M // nch

    def body(x_ref, *refs):
        if with_loss:
            t_ref, w_ref, b_ref, o_ref, ss_ref = refs
        else:
            w_ref, b_ref, o_ref = refs
        base = pl.program_id(1) * chunk
        acc = None
        for t, off in enumerate(offs):
            if nch == 1:
                xs = x_ref[0, off:off + chunk, :]
            else:
                a8, r = (off // 8) * 8, off % 8
                start = pl.multiple_of(base + a8, 8)
                xs = x_ref[0, pl.ds(start, chunk + 8), :][r:r + chunk, :]
            if relu_in:
                xs = jnp.maximum(xs, 0.0)
            p = _dot(xs, w_ref[t])
            acc = p if acc is None else acc + p
        acc = acc + b_ref[...]
        if relu_out:
            acc = jnp.maximum(acc, 0.0)
        o_ref[0] = acc
        if with_loss:
            row = lax.broadcasted_iota(jnp.int32, (chunk, 1), 0) + base
            valid = (row % wp < wo)
            if m_valid is not None:
                valid = valid & (row < m_valid)
            mask = valid.astype(jnp.float32)
            dy = (acc - t_ref[0]) * mask
            s = jnp.sum(dy * dy)

            @pl.when((pl.program_id(0) == 0) & (pl.program_id(1) == 0))
            def _():
                ss_ref[...] = jnp.zeros((8, 128), jnp.float32)

            ss_ref[...] += jnp.full((8, 128), s, jnp.float32)

    in_specs = [pl.BlockSpec((1, L, Cin), lambda i, c: (i, 0, 0))]
    if with_loss:
        in_specs.append(pl.BlockSpec((1, chunk, Cout), lambda i, c: (i, c, 0)))
    in_specs += [
        pl.BlockSpec((T, Cin, Cout), lambda i, c: (0, 0, 0)),
        pl.BlockSpec((1, Cout), lambda i, c: (0, 0)),
    ]
    out_specs = pl.BlockSpec((1, chunk, Cout), lambda i, c: (i, c, 0))
    out_shape = jax.ShapeDtypeStruct((N, M, Cout), jnp.float32)
    if with_loss:
        out_specs = [out_specs, pl.BlockSpec((8, 128), lambda i, c: (0, 0))]
        out_shape = [out_shape, jax.ShapeDtypeStruct((8, 128), jnp.float32)]
    args = (xflat, target, wt, bias) if with_loss else (xflat, wt, bias)
    return pl.pallas_call(
        body,
        grid=(N, nch),
        in_specs=in_specs,
        out_specs=out_specs,
        out_shape=out_shape,
    )(*args)


def _conv_s2_call(xflat, wt, bias, taps, M, cin, relu_out=False, nch=1, xcast=False):
    N, L, Cq = xflat.shape
    T, _, Cout = wt.shape
    assert M % nch == 0
    chunk = M // nch

    def body(x_ref, w_ref, b_ref, o_ref):
        base = pl.program_id(1) * chunk
        acc = None
        for t, (off, lo) in enumerate(taps):
            if nch == 1:
                xs = x_ref[0, off:off + chunk, lo:lo + cin]
            else:
                a8, r = (off // 8) * 8, off % 8
                start = pl.multiple_of(base + a8, 8)
                xs = x_ref[0, pl.ds(start, chunk + 8), lo:lo + cin][r:r + chunk, :]
            p = _dot(xs, w_ref[t], xcast=xcast)
            acc = p if acc is None else acc + p
        acc = acc + b_ref[...]
        if relu_out:
            acc = jnp.maximum(acc, 0.0)
        o_ref[0] = acc

    return pl.pallas_call(
        body,
        grid=(N, nch),
        in_specs=[
            pl.BlockSpec((1, L, Cq), lambda i, c: (i, 0, 0)),
            pl.BlockSpec((T, cin, Cout), lambda i, c: (0, 0, 0)),
            pl.BlockSpec((1, Cout), lambda i, c: (0, 0)),
        ],
        out_specs=pl.BlockSpec((1, chunk, Cout), lambda i, c: (i, c, 0)),
        out_shape=jax.ShapeDtypeStruct((N, M, Cout), jnp.float32),
    )(xflat, wt, bias)


def _imcol_conv(xflat, wt, bias, taps, M, cin, relu_out=False, nch=1,
                xcast=False):
    N, L, Cq = xflat.shape
    Cout = wt.shape[-1]
    assert M % nch == 0
    chunk = M // nch

    def body(x_ref, w_ref, b_ref, o_ref):
        base = pl.program_id(1) * chunk
        cols = []
        for t, (off, lo) in enumerate(taps):
            if nch == 1:
                xs = x_ref[0, off:off + chunk, lo:lo + cin]
            else:
                a8, r = (off // 8) * 8, off % 8
                start = pl.multiple_of(base + a8, 8)
                xs = x_ref[0, pl.ds(start, chunk + 8), lo:lo + cin][r:r + chunk, :]
            if xcast:
                xs = xs.astype(jnp.bfloat16)
            cols.append(xs)
        xim = jnp.concatenate(cols, axis=1)
        acc = lax.dot_general(xim, w_ref[...], _DN, precision=_PREC,
                              preferred_element_type=jnp.float32)
        acc = acc + b_ref[...]
        if relu_out:
            acc = jnp.maximum(acc, 0.0)
        o_ref[0] = acc

    return pl.pallas_call(
        body, grid=(N, nch),
        in_specs=[pl.BlockSpec((1, L, Cq), lambda i, c: (i, 0, 0)),
                  pl.BlockSpec(wt.shape, lambda i, c: (0, 0)),
                  pl.BlockSpec((1, Cout), lambda i, c: (0, 0))],
        out_specs=pl.BlockSpec((1, chunk, Cout), lambda i, c: (i, c, 0)),
        out_shape=jax.ShapeDtypeStruct((N, M, Cout), jnp.float32),
    )(xflat, wt, bias)


def _w_s2_xla(w):
    t = jnp.transpose(w, (2, 3, 1, 0))
    return t.reshape(16, w.shape[1], w.shape[0])


def _s2_taps(wq, cin):
    return [((kh // 2) * wq + kw // 2, ((kh % 2) * 2 + kw % 2) * cin)
            for kh in range(4) for kw in range(4)]


def _res_call(xflat, wa, wb, offs, M, center):
    N, L, C = xflat.shape
    _, _, Cm = wa.shape
    wa = wa.reshape(9 * C, Cm)

    def body(x_ref, wa_ref, wb_ref, o_ref):
        cols = [jnp.maximum(x_ref[0, off:off + M, :], 0.0) for off in offs]
        xim = jnp.concatenate(cols, axis=1)
        acc = lax.dot_general(xim, wa_ref[...], _DN, precision=_PREC,
                              preferred_element_type=jnp.float32)
        a_bf = acc.astype(jnp.bfloat16)
        h_in = jnp.maximum(a_bf, jnp.bfloat16(0))
        h = _dot(h_in, wb_ref[0])
        o_ref[0] = x_ref[0, center:center + M, :] + h

    return pl.pallas_call(
        body,
        grid=(N,),
        in_specs=[
            pl.BlockSpec((1, L, C), lambda i: (i, 0, 0)),
            pl.BlockSpec((9 * C, Cm), lambda i: (0, 0)),
            pl.BlockSpec((1, Cm, C), lambda i: (0, 0, 0)),
        ],
        out_specs=pl.BlockSpec((1, M, C), lambda i: (i, 0, 0)),
        out_shape=jax.ShapeDtypeStruct((N, M, C), jnp.float32),
    )(xflat, wa, wb)


def _vq_call(x, wv, bv, embT):
    N, M, C = x.shape
    D, K = embT.shape

    def body(x_ref, wv_ref, bv_ref, e_ref, zt_ref, idx_ref):
        xr = jnp.maximum(x_ref[0], 0.0)
        flat = _dot(xr, wv_ref[...]) + bv_ref[...]
        embT_v = e_ref[...]
        fsq = jnp.sum(flat * flat, axis=1, keepdims=True)
        esq = jnp.sum(embT_v * embT_v, axis=0, keepdims=True)
        d2 = fsq - 2.0 * _dot(flat, embT_v, xcast=True) + esq
        d = jnp.sqrt(jnp.maximum(d2, 0.0))
        m = jnp.min(d, axis=1, keepdims=True)
        iota = lax.broadcasted_iota(jnp.int32, (M, K), 1)
        idx = jnp.min(jnp.where(d == m, iota, K), axis=1)
        zt_ref[0] = flat
        idx_ref[0, 0] = idx

    return pl.pallas_call(
        body,
        grid=(N,),
        in_specs=[
            pl.BlockSpec((1, M, C), lambda i: (i, 0, 0)),
            pl.BlockSpec((C, D), lambda i: (0, 0)),
            pl.BlockSpec((1, D), lambda i: (0, 0)),
            pl.BlockSpec((D, K), lambda i: (0, 0)),
        ],
        out_specs=[
            pl.BlockSpec((1, M, D), lambda i: (i, 0, 0)),
            pl.BlockSpec((1, 1, M), lambda i: (i, 0, 0)),
        ],
        out_shape=[
            jax.ShapeDtypeStruct((N, M, D), jnp.float32),
            jax.ShapeDtypeStruct((N, 1, M), jnp.int32),
        ],
    )(x, wv, bv, embT)


def _sc_gather(emb, idx):
    K, D = emb.shape
    (B,) = idx.shape
    info = plsc.get_sparse_core_info()
    NC, NS = info.num_cores, info.num_subcores
    NW = NC * NS
    b_per_w = B // NW
    mesh = plsc.VectorSubcoreMesh(core_axis_name="c", subcore_axis_name="s")

    @functools.partial(
        pl.kernel,
        mesh=mesh,
        out_type=jax.ShapeDtypeStruct((B, D), jnp.float32),
        scratch_types=[
            pltpu.VMEM((b_per_w,), jnp.int32),
            pltpu.VMEM((b_per_w, D), jnp.float32),
            pltpu.SemaphoreType.DMA,
        ],
    )
    def k(table_hbm, idx_hbm, out_hbm, idx_v, rows_v, sem):
        wid = lax.axis_index("s") * NC + lax.axis_index("c")
        base = wid * b_per_w
        pltpu.sync_copy(idx_hbm.at[pl.ds(base, b_per_w)], idx_v)
        pltpu.async_copy(table_hbm.at[idx_v], rows_v, sem).wait()
        pltpu.sync_copy(rows_v, out_hbm.at[pl.ds(base, b_per_w)])

    return k(emb, idx)


def _conv4_call(qflat, ztp, wt, bias, offs, M, center):
    N, L, Cin = qflat.shape
    T, _, Cout = wt.shape
    D = ztp.shape[-1]

    def body(q_ref, zt_ref, w_ref, b_ref, o_ref, ss_ref):
        acc = None
        for t, off in enumerate(offs):
            xs = q_ref[0, off:off + M, :]
            p = _dot(xs, w_ref[t])
            acc = p if acc is None else acc + p
        o_ref[0] = acc + b_ref[...]
        dq = q_ref[0, center:center + M, :D] - zt_ref[0]
        s = jnp.sum(dq * dq)

        @pl.when(pl.program_id(0) == 0)
        def _():
            ss_ref[...] = jnp.zeros((8, 128), jnp.float32)

        ss_ref[...] += jnp.full((8, 128), s, jnp.float32)

    return pl.pallas_call(
        body,
        grid=(N,),
        in_specs=[
            pl.BlockSpec((1, L, Cin), lambda i: (i, 0, 0)),
            pl.BlockSpec((1, M, D), lambda i: (i, 0, 0)),
            pl.BlockSpec((T, Cin, Cout), lambda i: (0, 0, 0)),
            pl.BlockSpec((1, Cout), lambda i: (0, 0)),
        ],
        out_specs=[
            pl.BlockSpec((1, M, Cout), lambda i: (i, 0, 0)),
            pl.BlockSpec((8, 128), lambda i: (0, 0)),
        ],
        out_shape=[
            jax.ShapeDtypeStruct((N, M, Cout), jnp.float32),
            jax.ShapeDtypeStruct((8, 128), jnp.float32),
        ],
    )(qflat, ztp, wt, bias)


def _w_s2d(w):
    co, ci = w.shape[0], w.shape[1]
    t = jnp.transpose(w, (2, 3, 1, 0))
    t = t.reshape(2, 2, 2, 2, ci, co)
    t = jnp.transpose(t, (0, 2, 1, 3, 4, 5))
    return t.reshape(4, 4 * ci, co)


def _w_3x3(w):
    co, ci = w.shape[0], w.shape[1]
    return jnp.transpose(w, (2, 3, 1, 0)).reshape(9, ci, co)


def _w_T(w):
    ci, co = w.shape[0], w.shape[1]
    z = jnp.zeros((ci, co), jnp.float32)
    taps = []
    for a in range(3):
        for b in range(3):
            blocks = []
            for r in range(2):
                for s in range(2):
                    kh, kw = 3 - 2 * a + r, 3 - 2 * b + s
                    ok = 0 <= kh < 4 and 0 <= kw < 4
                    blocks.append(w[:, :, kh, kw] if ok else z)
            taps.append(jnp.concatenate(blocks, axis=1))
    return jnp.stack(taps)


def _s2d(x):
    n, h, w, c = x.shape
    x = x.reshape(n, h // 2, 2, w // 2, 2, c)
    x = jnp.transpose(x, (0, 1, 3, 2, 4, 5))
    return x.reshape(n, h // 2, w // 2, 4 * c)


def _d2s(x, cout):
    n, h, w, _ = x.shape
    x = x.reshape(n, h, w, 2, 2, cout)
    x = jnp.transpose(x, (0, 1, 3, 2, 4, 5))
    return x.reshape(n, 2 * h, 2 * w, cout)


def _flat_s2d(xq, offs, m_pad=None):
    n, hq, wq, c = xq.shape
    flat = xq.reshape(n, hq * wq, c)
    max_off = max(offs)
    m = m_pad if m_pad is not None else (hq - 1) * wq
    L = _ceil8(m + max_off)
    return jnp.pad(flat, ((0, 0), (0, L - hq * wq), (0, 0)))


def kernel(inputs, params):
    p = params
    N = inputs.shape[0]
    offs2 = [(0, 0), (0, 1), (1, 0), (1, 1)]
    offs3 = [(du, dv) for du in range(3) for dv in range(3)]

    xin = jnp.transpose(inputs, (0, 2, 3, 1))
    xq = _s2d(jnp.pad(xin, ((0, 0), (1, 1), (1, 1), (0, 0))))
    o1 = [du * 113 + dv for du, dv in offs2]
    w1 = jnp.transpose(p['conv1_w'], (2, 3, 1, 0)).reshape(48, 64)
    x1 = _imcol_conv(_flat_s2d(xq, o1, 12672), w1.astype(jnp.bfloat16),
                     p['conv1_b'][None], _s2_taps(113, 3), 12672, 3,
                     relu_out=True, nch=16)
    x1i = _unflat(x1[:, :112 * 113], 112, 113, 112)
    xq2 = _s2d(jnp.pad(x1i, ((0, 0), (1, 1), (1, 1), (0, 0))))
    o2 = [du * 57 + dv for du, dv in offs2]
    w2 = jnp.transpose(p['conv2_w'], (2, 3, 1, 0)).reshape(1024, 128)
    x2 = _imcol_conv(_flat_s2d(xq2, o2), w2.astype(jnp.bfloat16),
                     p['conv2_b'][None], _s2_taps(57, 64), 56 * 57, 64,
                     relu_out=True, xcast=True)
    x2i = _unflat(x2, 56, 57, 56)

    o3 = [du * 58 + dv for du, dv in offs3]
    M = 56 * 58
    ctr = 59
    xf, _ = _flat_in(x2i, offs3)
    w3 = jnp.transpose(p['conv3_w'], (2, 3, 1, 0)).reshape(1152, 128)
    x = _imcol_conv(xf, w3, p['conv3_b'][None],
                    [(o, 0) for o in o3], M, 128)
    for i in range(p['res1_a_w'].shape[0]):
        xf, _ = _flat_in(_unflat(x, 56, 58, 56), offs3)
        x = _res_call(xf, _w_3x3(p['res1_a_w'][i]).astype(jnp.bfloat16),
                      jnp.transpose(p['res1_b_w'][i, :, :, 0, 0],
                                    (1, 0))[None], o3, M, ctr)

    emb = p['emb']
    K, D = emb.shape
    wv = jnp.transpose(p['vq_w'][:, :, 0, 0], (1, 0))
    xv = _unflat(x, 56, 58, 56).reshape(N, 56 * 56, 128)
    zt, idx = _vq_call(xv, wv, p['vq_b'][None], jnp.transpose(emb, (1, 0)))
    emb_p = jnp.pad(emb, ((0, 0), (0, 128 - D)))
    quant = _sc_gather(emb_p, idx.reshape(-1))
    quant = quant.reshape(N, 56, 56, 128)

    w4 = jnp.pad(_w_3x3(p['conv4_w']), ((0, 0), (0, 128 - D), (0, 0)))
    qf, _ = _flat_in(quant, offs3)
    ztp = jnp.pad(zt.reshape(N, 56, 56, D),
                  ((0, 0), (0, 0), (0, 2), (0, 0))).reshape(N, M, D)
    y4, vq_ss = _conv4_call(qf, ztp, w4, p['conv4_b'][None], o3, M, ctr)
    y = y4
    for i in range(p['res2_a_w'].shape[0]):
        yf, _ = _flat_in(_unflat(y, 56, 58, 56), offs3)
        y = _res_call(yf, _w_3x3(p['res2_a_w'][i]).astype(jnp.bfloat16),
                      jnp.transpose(p['res2_b_w'][i, :, :, 0, 0],
                                    (1, 0))[None], o3, M, ctr)

    yf, _ = _flat_in(_unflat(y, 56, 58, 56), offs3)
    y5p = _conv_call(yf, _w_T(p['conv5_w']).astype(jnp.bfloat16),
                     jnp.tile(p['conv5_b'], 4)[None],
                     o3, M, relu_in=True)
    y5 = _d2s(_unflat(y5p, 56, 58, 56), 32)
    inp_par = _s2d(xin)
    inp_flat = jnp.pad(inp_par, ((0, 0), (0, 0), (0, 2), (0, 0)))
    inp_flat = jnp.pad(inp_flat.reshape(N, 112 * 114, 12),
                       ((0, 0), (0, 12800 - 112 * 114), (0, 0)))
    o6 = [du * 114 + dv for du, dv in offs3]
    y5f, _ = _flat_in(y5, offs3, m_pad=12800)
    y6p, rec_ss = _conv_call(y5f, _w_T(p['conv6_w']).astype(jnp.bfloat16),
                             jnp.tile(p['conv6_b'], 4)[None], o6, 12800,
                             relu_in=True, target=inp_flat, wp=114, wo=112,
                             nch=16, m_valid=112 * 114)
    y_out = jnp.transpose(_d2s(_unflat(y6p[:, :112 * 114], 112, 114, 112), 3),
                          (0, 3, 1, 2))

    m = jnp.float32(N * 56 * 56 * D)
    c_loss = 1.25 * vq_ss[0, 0] / m
    rec_loss = rec_ss[0, 0] / jnp.float32(inputs.size)
    loss = rec_loss + c_loss
    return (loss, y_out, rec_loss)

# --- scband reference (transcript-rebuilt; emitter-appended) ---
"""Pipeline reference for scband-model-43130061586928 (READ-ONLY COPY).

The authoritative reference and input builder live on the scoring server;
editing this copy changes nothing except your own understanding.
"""

import jax, jax.numpy as jnp
import numpy as np
from jax import lax


def conv2d(x, w, b, stride, pad):
    y = lax.conv_general_dilated(x, w, (stride, stride), ((pad, pad), (pad, pad)), dimension_numbers=('NCHW', 'OIHW', 'NCHW'))
    if b is not None:
        y = y + b[None, :, None, None]
    return y


def conv_t2d(x, w, b, stride, pad):
    # torch ConvTranspose2d(w: [in, out, kh, kw], stride, padding=pad)
    k = w.shape[2]
    wf = w[:, :, ::-1, ::-1]
    pp = k - 1 - pad
    y = lax.conv_general_dilated(x, wf, (1, 1), ((pp, pp), (pp, pp)), lhs_dilation=(stride, stride), dimension_numbers=('NCHW', 'IOHW', 'NCHW'))
    if b is not None:
        y = y + b[None, :, None, None]
    return y


def res_stack(x, aw, bw):
    # ResudialStack: x = x + convB(relu(convA(relu(x)))), repeated; final relu
    for i in range(aw.shape[0]):
        h = jax.nn.relu(x)
        h = conv2d(h, aw[i], None, 1, 1)
        h = jax.nn.relu(h)
        h = conv2d(h, bw[i], None, 1, 0)
        x = x + h
    return jax.nn.relu(x)


def model_forward(inputs, p):
    # encode
    x = jax.nn.relu(conv2d(inputs, p['conv1_w'], p['conv1_b'], 2, 1))
    x = jax.nn.relu(conv2d(x, p['conv2_w'], p['conv2_b'], 2, 1))
    x = conv2d(x, p['conv3_w'], p['conv3_b'], 1, 1)
    x = res_stack(x, p['res1_a_w'], p['res1_b_w'])
    z = conv2d(x, p['vq_w'], p['vq_b'], 1, 0)
    # VQ: permute NCHW -> NHWC, flatten, nearest codebook entry
    zt = jnp.transpose(z, (0, 2, 3, 1))
    emb = p['emb']
    d = emb.shape[1]
    flat = zt.reshape(-1, d)
    d2 = jnp.sum(flat ** 2, axis=1, keepdims=True) - 2.0 * flat @ emb.T + jnp.sum(emb ** 2, axis=1)[None, :]
    dist = jnp.sqrt(jnp.maximum(d2, 0.0))
    idx = jnp.argmin(dist, axis=1)
    quant = jnp.take(emb, idx, axis=0).reshape(zt.shape)
    e_latent_loss = jnp.mean((lax.stop_gradient(quant) - zt) ** 2)
    q_latent_loss = jnp.mean((quant - lax.stop_gradient(zt)) ** 2)
    c_loss = q_latent_loss + 0.25 * e_latent_loss
    quant = zt + lax.stop_gradient(quant - zt)
    quant = jnp.transpose(quant, (0, 3, 1, 2))
    # decode
    y = conv2d(quant, p['conv4_w'], p['conv4_b'], 1, 1)
    y = res_stack(y, p['res2_a_w'], p['res2_b_w'])
    y = jax.nn.relu(conv_t2d(y, p['conv5_w'], p['conv5_b'], 2, 1))
    y = conv_t2d(y, p['conv6_w'], p['conv6_b'], 2, 1)
    rec_loss = jnp.mean((y - inputs) ** 2)
    loss = rec_loss + c_loss
    return (loss, y, rec_loss)


def setup_inputs(seed: int = 0):
    key = jax.random.key(seed)
    ks = jax.random.split(key, 20)

    def w(k, shape, scale=0.05):
        return jax.random.normal(k, shape, dtype=jnp.float32) * scale

    K, D = 512, 64
    params = {
        'conv1_w': w(ks[0], (64, 3, 4, 4)), 'conv1_b': jnp.zeros((64,), jnp.float32),
        'conv2_w': w(ks[1], (128, 64, 4, 4)), 'conv2_b': jnp.zeros((128,), jnp.float32),
        'conv3_w': w(ks[2], (128, 128, 3, 3)), 'conv3_b': jnp.zeros((128,), jnp.float32),
        'res1_a_w': w(ks[3], (3, 64, 128, 3, 3)),
        'res1_b_w': w(ks[4], (3, 128, 64, 1, 1)),
        'vq_w': w(ks[5], (D, 128, 1, 1)), 'vq_b': jnp.zeros((D,), jnp.float32),
        'emb': jax.random.uniform(ks[6], (K, D), dtype=jnp.float32, minval=-1.0 / K, maxval=1.0 / K),
        'conv4_w': w(ks[7], (64, D, 3, 3)), 'conv4_b': jnp.zeros((64,), jnp.float32),
        'res2_a_w': w(ks[8], (3, 32, 64, 3, 3)),
        'res2_b_w': w(ks[9], (3, 64, 32, 1, 1)),
        'conv5_w': w(ks[10], (64, 32, 4, 4)), 'conv5_b': jnp.zeros((32,), jnp.float32),
        'conv6_w': w(ks[11], (32, 3, 4, 4)), 'conv6_b': jnp.zeros((3,), jnp.float32),
    }
    inputs = jax.random.normal(ks[12], (8, 3, 224, 224), dtype=jnp.float32)
    return {'inputs': inputs, 'params': params}


def reference(inputs, params):
    return model_forward(inputs, params)

if __name__ == "__main__":
    import jax
    _d = setup_inputs()
    print(jax.jit(kernel)(*tuple(_d.values())))

</pallas_src>

<mosaic_0001>
#map = affine_map<(d0, d1) -> (0, 0)>
#map1 = affine_map<(d0, d1) -> (0)>
module attributes {stable_mosaic.version = 14 : i64} {
  func.func @k(%arg0: i32, %arg1: i32, %arg2: memref<512x128xf32, #tpu.memory_space<hbm>>, %arg3: memref<25088xi32, #tpu.memory_space<hbm>>, %arg4: memref<25088x128xf32, #tpu.memory_space<hbm>>, %arg5: memref<784xi32, #tpu.memory_space<vmem>>, %arg6: memref<784x128xf32, #tpu.memory_space<vmem>>, %arg7: memref<!tpu.dma_semaphore, #tpu.memory_space<semaphore_mem>>) attributes {dimension_semantics = [#tpu.dimension_semantics<core_parallel>, #tpu.dimension_semantics<subcore_parallel>], iteration_bounds = array<i64: 2, 16>, scalar_prefetch = 0 : i64, scratch_operands = 3 : i64, tpu.core_type = #tpu.core_type<sc_vector_subcore>, window_params = [{transform_indices = #map}, {transform_indices = #map1}, {transform_indices = #map}]} {
    %mul3A = arith.constant 2 : i32
    %mul3A_0 = arith.muli %arg1, %mul3A : i32
    %add3A = arith.addi %mul3A_0, %arg0 : i32
    %mul3A_1 = arith.constant 784 : i32
    %mul3A_2 = arith.muli %add3A, %mul3A_1 : i32
    "tpu.region"() ({
      %run_scoped3A = tpu.sem_alloc : memref<!tpu.dma_semaphore, #tpu.memory_space<semaphore_mem>>
      %dma_start3A_7 = tpu.memref_slice %arg3[%mul3A_2] : memref<25088xi32, #tpu.memory_space<hbm>> -> memref<784xi32, #tpu.memory_space<hbm>>
      %dma_start3A_8 = tpu.memref_slice %arg3[%mul3A_2] : memref<25088xi32, #tpu.memory_space<hbm>> -> memref<784xi32, #tpu.memory_space<hbm>>
      tpu.enqueue_dma source(%dma_start3A_8 : memref<784xi32, #tpu.memory_space<hbm>>) target(%arg5 : memref<784xi32, #tpu.memory_space<vmem>>) target_semaphore(%run_scoped3A : memref<!tpu.dma_semaphore, #tpu.memory_space<semaphore_mem>>)
      %dma_wait3A_9 = tpu.memref_slice %arg3[%mul3A_2] : memref<25088xi32, #tpu.memory_space<hbm>> -> memref<784xi32, #tpu.memory_space<hbm>>
      %dma_wait3A_10 = tpu.memref_slice %arg3[%mul3A_2] : memref<25088xi32, #tpu.memory_space<hbm>> -> memref<784xi32, #tpu.memory_space<hbm>>
      tpu.wait_dma2 semaphore(%run_scoped3A : memref<!tpu.dma_semaphore, #tpu.memory_space<semaphore_mem>>) src(%dma_wait3A_10 : memref<784xi32, #tpu.memory_space<hbm>>) dst(%arg5 : memref<784xi32, #tpu.memory_space<vmem>>)
      tpu.yield
    }) : () -> ()
    %dma_start3A = arith.constant 0 : i32
    %dma_start3A_3 = arith.constant 0 : i32
    %dma_start3A_4 = tpu.memref_slice %arg2[%dma_start3A, %dma_start3A_3] : memref<512x128xf32, #tpu.memory_space<hbm>> -> memref<512x128xf32, #tpu.memory_space<hbm>>
    tpu.enqueue_indirect_dma source(%dma_start3A_4 : memref<512x128xf32, #tpu.memory_space<hbm>>) target(%arg6 : memref<784x128xf32, #tpu.memory_space<vmem>>) offsets(%arg5 : memref<784xi32, #tpu.memory_space<vmem>>) semaphore(%arg7 : memref<!tpu.dma_semaphore, #tpu.memory_space<semaphore_mem>>)
    %dma_wait3A = arith.constant 0 : i32
    %dma_wait3A_5 = arith.constant 0 : i32
    %dma_wait3A_6 = tpu.memref_slice %arg2[%dma_wait3A, %dma_wait3A_5] : memref<512x128xf32, #tpu.memory_space<hbm>> -> memref<512x128xf32, #tpu.memory_space<hbm>>
    tpu.wait_indirect_dma semaphore(%arg7 : memref<!tpu.dma_semaphore, #tpu.memory_space<semaphore_mem>>) src(%dma_wait3A_6 : memref<512x128xf32, #tpu.memory_space<hbm>>) dst(%arg6 : memref<784x128xf32, #tpu.memory_space<vmem>>)
    "tpu.region"() ({
      %run_scoped3A = tpu.sem_alloc : memref<!tpu.dma_semaphore, #tpu.memory_space<semaphore_mem>>
      %dma_start3A_7 = arith.constant 0 : i32
      %dma_start3A_8 = tpu.memref_slice %arg4[%mul3A_2, %dma_start3A_7] : memref<25088x128xf32, #tpu.memory_space<hbm>> -> memref<784x128xf32, #tpu.memory_space<hbm>>
      %dma_start3A_9 = arith.constant 0 : i32
      %dma_start3A_10 = tpu.memref_slice %arg4[%mul3A_2, %dma_start3A_9] : memref<25088x128xf32, #tpu.memory_space<hbm>> -> memref<784x128xf32, #tpu.memory_space<hbm>>
      tpu.enqueue_dma source(%arg6 : memref<784x128xf32, #tpu.memory_space<vmem>>) target(%dma_start3A_10 : memref<784x128xf32, #tpu.memory_space<hbm>>) target_semaphore(%run_scoped3A : memref<!tpu.dma_semaphore, #tpu.memory_space<semaphore_mem>>)
      %dma_wait3A_11 = arith.constant 0 : i32
      %dma_wait3A_12 = tpu.memref_slice %arg4[%mul3A_2, %dma_wait3A_11] : memref<25088x128xf32, #tpu.memory_space<hbm>> -> memref<784x128xf32, #tpu.memory_space<hbm>>
      %dma_wait3A_13 = arith.constant 0 : i32
      %dma_wait3A_14 = tpu.memref_slice %arg4[%mul3A_2, %dma_wait3A_13] : memref<25088x128xf32, #tpu.memory_space<hbm>> -> memref<784x128xf32, #tpu.memory_space<hbm>>
      tpu.wait_dma2 semaphore(%run_scoped3A : memref<!tpu.dma_semaphore, #tpu.memory_space<semaphore_mem>>) src(%arg6 : memref<784x128xf32, #tpu.memory_space<vmem>>) dst(%dma_wait3A_14 : memref<784x128xf32, #tpu.memory_space<hbm>>)
      tpu.yield
    }) : () -> ()
    return
  }
}

module attributes {stable_mosaic.version = 14 : i64} {
  func.func @body(%arg0: i32, %arg1: i32, %arg2: memref<1x12792x12xf32, #tpu.memory_space<vmem>>, %arg3: memref<48x64xbf16, #tpu.memory_space<vmem>>, %arg4: memref<1x64xf32, #tpu.memory_space<vmem>>, %arg5: memref<1x792x64xf32, #tpu.memory_space<vmem>>) attributes {dimension_semantics = [#tpu.dimension_semantics<arbitrary>, #tpu.dimension_semantics<arbitrary>], iteration_bounds = array<i64: 8, 16>, scalar_prefetch = 0 : i64, scratch_operands = 0 : i64, tpu.core_type = #tpu.core_type<tc>, window_params = [{transform_indices = @transform_0, window_bounds = array<i64: 1, 12792, 12>}, {pipeline_mode = #tpu.pipeline_mode<synchronous>, transform_indices = @transform_1, window_bounds = array<i64: 48, 64>}, {pipeline_mode = #tpu.pipeline_mode<synchronous>, transform_indices = @transform_2, window_bounds = array<i64: 1, 64>}, {transform_indices = @transform_3, window_bounds = array<i64: 1, 792, 64>}]} {
    %mul3A = arith.constant 792 : i32
    %mul3A_0 = arith.muli %arg1, %mul3A : i32
    %add3A = arith.constant 0 : i32
    %add3A_1 = arith.addi %mul3A_0, %add3A : i32
    %multiple_of3A = tpu.assume_multiple %add3A_1, 8 : i32
    %get3A = arith.constant 0 : index
    %get3A_2 = arith.index_cast %multiple_of3A : i32 to index
    %get3A_3 = arith.constant 0 : index
    %get3A_4 = vector.load %arg2[%get3A, %get3A_2, %get3A_3] : memref<1x12792x12xf32, #tpu.memory_space<vmem>>, vector<1x800x3xf32>
    %get3A_5 = vector.shape_cast %get3A_4 : vector<1x800x3xf32> to vector<800x3xf32>
    %slice3A = vector.extract_strided_slice %get3A_5 {offsets = [0, 0], sizes = [792, 3], strides = [1, 1]} : vector<800x3xf32> to vector<792x3xf32>
    %add3A_6 = arith.constant 0 : i32
    %add3A_7 = arith.addi %mul3A_0, %add3A_6 : i32
    %multiple_of3A_8 = tpu.assume_multiple %add3A_7, 8 : i32
    %get3A_9 = arith.constant 0 : index
    %get3A_10 = arith.index_cast %multiple_of3A_8 : i32 to index
    %get3A_11 = arith.constant 3 : index
    %get3A_12 = vector.load %arg2[%get3A_9, %get3A_10, %get3A_11] : memref<1x12792x12xf32, #tpu.memory_space<vmem>>, vector<1x800x3xf32>
    %get3A_13 = vector.shape_cast %get3A_12 : vector<1x800x3xf32> to vector<800x3xf32>
    %slice3A_14 = vector.extract_strided_slice %get3A_13 {offsets = [0, 0], sizes = [792, 3], strides = [1, 1]} : vector<800x3xf32> to vector<792x3xf32>
    %add3A_15 = arith.constant 0 : i32
    %add3A_16 = arith.addi %mul3A_0, %add3A_15 : i32
    %multiple_of3A_17 = tpu.assume_multiple %add3A_16, 8 : i32
    %get3A_18 = arith.constant 0 : index
    %get3A_19 = arith.index_cast %multiple_of3A_17 : i32 to index
    %get3A_20 = arith.constant 0 : index
    %get3A_21 = vector.load %arg2[%get3A_18, %get3A_19, %get3A_20] : memref<1x12792x12xf32, #tpu.memory_space<vmem>>, vector<1x800x3xf32>
    %get3A_22 = vector.shape_cast %get3A_21 : vector<1x800x3xf32> to vector<800x3xf32>
    %slice3A_23 = vector.extract_strided_slice %get3A_22 {offsets = [1, 0], sizes = [792, 3], strides = [1, 1]} : vector<800x3xf32> to vector<792x3xf32>
    %add3A_24 = arith.constant 0 : i32
    %add3A_25 = arith.addi %mul3A_0, %add3A_24 : i32
    %multiple_of3A_26 = tpu.assume_multiple %add3A_25, 8 : i32
    %get3A_27 = arith.constant 0 : index
    %get3A_28 = arith.index_cast %multiple_of3A_26 : i32 to index
    %get3A_29 = arith.constant 3 : index
    %get3A_30 = vector.load %arg2[%get3A_27, %get3A_28, %get3A_29] : memref<1x12792x12xf32, #tpu.memory_space<vmem>>, vector<1x800x3xf32>
    %get3A_31 = vector.shape_cast %get3A_30 : vector<1x800x3xf32> to vector<800x3xf32>
    %slice3A_32 = vector.extract_strided_slice %get3A_31 {offsets = [1, 0], sizes = [792, 3], strides = [1, 1]} : vector<800x3xf32> to vector<792x3xf32>
    %add3A_33 = arith.constant 0 : i32
    %add3A_34 = arith.addi %mul3A_0, %add3A_33 : i32
    %multiple_of3A_35 = tpu.assume_multiple %add3A_34, 8 : i32
    %get3A_36 = arith.constant 0 : index
    %get3A_37 = arith.index_cast %multiple_of3A_35 : i32 to index
    %get3A_38 = arith.constant 6 : index
    %get3A_39 = vector.load %arg2[%get3A_36, %get3A_37, %get3A_38] : memref<1x12792x12xf32, #tpu.memory_space<vmem>>, vector<1x800x3xf32>
    %get3A_40 = vector.shape_cast %get3A_39 : vector<1x800x3xf32> to vector<800x3xf32>
    %slice3A_41 = vector.extract_strided_slice %get3A_40 {offsets = [0, 0], sizes = [792, 3], strides = [1, 1]} : vector<800x3xf32> to vector<792x3xf32>
    %add3A_42 = arith.constant 0 : i32
    %add3A_43 = arith.addi %mul3A_0, %add3A_42 : i32
    %multiple_of3A_44 = tpu.assume_multiple %add3A_43, 8 : i32
    %get3A_45 = arith.constant 0 : index
    %get3A_46 = arith.index_cast %multiple_of3A_44 : i32 to index
    %get3A_47 = arith.constant 9 : index
    %get3A_48 = vector.load %arg2[%get3A_45, %get3A_46, %get3A_47] : memref<1x12792x12xf32, #tpu.memory_space<vmem>>, vector<1x800x3xf32>
    %get3A_49 = vector.shape_cast %get3A_48 : vector<1x800x3xf32> to vector<800x3xf32>
    %slice3A_50 = vector.extract_strided_slice %get3A_49 {offsets = [0, 0], sizes = [792, 3], strides = [1, 1]} : vector<800x3xf32> to vector<792x3xf32>
    %add3A_51 = arith.constant 0 : i32
    %add3A_52 = arith.addi %mul3A_0, %add3A_51 : i32
    %multiple_of3A_53 = tpu.assume_multiple %add3A_52, 8 : i32
    %get3A_54 = arith.constant 0 : index
    %get3A_55 = arith.index_cast %multiple_of3A_53 : i32 to index
    %get3A_56 = arith.constant 6 : index
    %get3A_57 = vector.load %arg2[%get3A_54, %get3A_55, %get3A_56] : memref<1x12792x12xf32, #tpu.memory_space<vmem>>, vector<1x800x3xf32>
    %get3A_58 = vector.shape_cast %get3A_57 : vector<1x800x3xf32> to vector<800x3xf32>
    %slice3A_59 = vector.extract_strided_slice %get3A_58 {offsets = [1, 0], sizes = [792, 3], strides = [1, 1]} : vector<800x3xf32> to vector<792x3xf32>
    %add3A_60 = arith.constant 0 : i32
    %add3A_61 = arith.addi %mul3A_0, %add3A_60 : i32
    %multiple_of3A_62 = tpu.assume_multiple %add3A_61, 8 : i32
    %get3A_63 = arith.constant 0 : index
    %get3A_64 = arith.index_cast %multiple_of3A_62 : i32 to index
    %get3A_65 = arith.constant 9 : index
    %get3A_66 = vector.load %arg2[%get3A_63, %get3A_64, %get3A_65] : memref<1x12792x12xf32, #tpu.memory_space<vmem>>, vector<1x800x3xf32>
    %get3A_67 = vector.shape_cast %get3A_66 : vector<1x800x3xf32> to vector<800x3xf32>
    %slice3A_68 = vector.extract_strided_slice %get3A_67 {offsets = [1, 0], sizes = [792, 3], strides = [1, 1]} : vector<800x3xf32> to vector<792x3xf32>
    %add3A_69 = arith.constant 112 : i32
    %add3A_70 = arith.addi %mul3A_0, %add3A_69 : i32
    %multiple_of3A_71 = tpu.assume_multiple %add3A_70, 8 : i32
    %get3A_72 = arith.constant 0 : index
    %get3A_73 = arith.index_cast %multiple_of3A_71 : i32 to index
    %get3A_74 = arith.constant 0 : index
    %get3A_75 = vector.load %arg2[%get3A_72, %get3A_73, %get3A_74] : memref<1x12792x12xf32, #tpu.memory_space<vmem>>, vector<1x800x3xf32>
    %get3A_76 = vector.shape_cast %get3A_75 : vector<1x800x3xf32> to vector<800x3xf32>
    %slice3A_77 = vector.extract_strided_slice %get3A_76 {offsets = [1, 0], sizes = [792, 3], strides = [1, 1]} : vector<800x3xf32> to vector<792x3xf32>
    %add3A_78 = arith.constant 112 : i32
    %add3A_79 = arith.addi %mul3A_0, %add3A_78 : i32
    %multiple_of3A_80 = tpu.assume_multiple %add3A_79, 8 : i32
    %get3A_81 = arith.constant 0 : index
    %get3A_82 = arith.index_cast %multiple_of3A_80 : i32 to index
    %get3A_83 = arith.constant 3 : index
    %get3A_84 = vector.load %arg2[%get3A_81, %get3A_82, %get3A_83] : memref<1x12792x12xf32, #tpu.memory_space<vmem>>, vector<1x800x3xf32>
    %get3A_85 = vector.shape_cast %get3A_84 : vector<1x800x3xf32> to vector<800x3xf32>
    %slice3A_86 = vector.extract_strided_slice %get3A_85 {offsets = [1, 0], sizes = [792, 3], strides = [1, 1]} : vector<800x3xf32> to vector<792x3xf32>
    %add3A_87 = arith.constant 112 : i32
    %add3A_88 = arith.addi %mul3A_0, %add3A_87 : i32
    %multiple_of3A_89 = tpu.assume_multiple %add3A_88, 8 : i32
    %get3A_90 = arith.constant 0 : index
    %get3A_91 = arith.index_cast %multiple_of3A_89 : i32 to index
    %get3A_92 = arith.constant 0 : index
    %get3A_93 = vector.load %arg2[%get3A_90, %get3A_91, %get3A_92] : memref<1x12792x12xf32, #tpu.memory_space<vmem>>, vector<1x800x3xf32>
    %get3A_94 = vector.shape_cast %get3A_93 : vector<1x800x3xf32> to vector<800x3xf32>
    %slice3A_95 = vector.extract_strided_slice %get3A_94 {offsets = [2, 0], sizes = [792, 3], strides = [1, 1]} : vector<800x3xf32> to vector<792x3xf32>
    %add3A_96 = arith.constant 112 : i32
    %add3A_97 = arith.addi %mul3A_0, %add3A_96 : i32
    %multiple_of3A_98 = tpu.assume_multiple %add3A_97, 8 : i32
    %get3A_99 = arith.constant 0 : index
    %get3A_100 = arith.index_cast %multiple_of3A_98 : i32 to index
    %get3A_101 = arith.constant 3 : index
    %get3A_102 = vector.load %arg2[%get3A_99, %get3A_100, %get3A_101] : memref<1x12792x12xf32, #tpu.memory_space<vmem>>, vector<1x800x3xf32>
    %get3A_103 = vector.shape_cast %get3A_102 : vector<1x800x3xf32> to vector<800x3xf32>
    %slice3A_104 = vector.extract_strided_slice %get3A_103 {offsets = [2, 0], sizes = [792, 3], strides = [1, 1]} : vector<800x3xf32> to vector<792x3xf32>
    %add3A_105 = arith.constant 112 : i32
    %add3A_106 = arith.addi %mul3A_0, %add3A_105 : i32
    %multiple_of3A_107 = tpu.assume_multiple %add3A_106, 8 : i32
    %get3A_108 = arith.constant 0 : index
    %get3A_109 = arith.index_cast %multiple_of3A_107 : i32 to index
    %get3A_110 = arith.constant 6 : index
    %get3A_111 = vector.load %arg2[%get3A_108, %get3A_109, %get3A_110] : memref<1x12792x12xf32, #tpu.memory_space<vmem>>, vector<1x800x3xf32>
    %get3A_112 = vector.shape_cast %get3A_111 : vector<1x800x3xf32> to vector<800x3xf32>
    %slice3A_113 = vector.extract_strided_slice %get3A_112 {offsets = [1, 0], sizes = [792, 3], strides = [1, 1]} : vector<800x3xf32> to vector<792x3xf32>
    %add3A_114 = arith.constant 112 : i32
    %add3A_115 = arith.addi %mul3A_0, %add3A_114 : i32
    %multiple_of3A_116 = tpu.assume_multiple %add3A_115, 8 : i32
    %get3A_117 = arith.constant 0 : index
    %get3A_118 = arith.index_cast %multiple_of3A_116 : i32 to index
    %get3A_119 = arith.constant 9 : index
    %get3A_120 = vector.load %arg2[%get3A_117, %get3A_118, %get3A_119] : memref<1x12792x12xf32, #tpu.memory_space<vmem>>, vector<1x800x3xf32>
    %get3A_121 = vector.shape_cast %get3A_120 : vector<1x800x3xf32> to vector<800x3xf32>
    %slice3A_122 = vector.extract_strided_slice %get3A_121 {offsets = [1, 0], sizes = [792, 3], strides = [1, 1]} : vector<800x3xf32> to vector<792x3xf32>
    %add3A_123 = arith.constant 112 : i32
    %add3A_124 = arith.addi %mul3A_0, %add3A_123 : i32
    %multiple_of3A_125 = tpu.assume_multiple %add3A_124, 8 : i32
    %get3A_126 = arith.constant 0 : index
    %get3A_127 = arith.index_cast %multiple_of3A_125 : i32 to index
    %get3A_128 = arith.constant 6 : index
    %get3A_129 = vector.load %arg2[%get3A_126, %get3A_127, %get3A_128] : memref<1x12792x12xf32, #tpu.memory_space<vmem>>, vector<1x800x3xf32>
    %get3A_130 = vector.shape_cast %get3A_129 : vector<1x800x3xf32> to vector<800x3xf32>
    %slice3A_131 = vector.extract_strided_slice %get3A_130 {offsets = [2, 0], sizes = [792, 3], strides = [1, 1]} : vector<800x3xf32> to vector<792x3xf32>
    %add3A_132 = arith.constant 112 : i32
    %add3A_133 = arith.addi %mul3A_0, %add3A_132 : i32
    %multiple_of3A_134 = tpu.assume_multiple %add3A_133, 8 : i32
    %get3A_135 = arith.constant 0 : index
    %get3A_136 = arith.index_cast %multiple_of3A_134 : i32 to index
    %get3A_137 = arith.constant 9 : index
    %get3A_138 = vector.load %arg2[%get3A_135, %get3A_136, %get3A_137] : memref<1x12792x12xf32, #tpu.memory_space<vmem>>, vector<1x800x3xf32>
    %get3A_139 = vector.shape_cast %get3A_138 : vector<1x800x3xf32> to vector<800x3xf32>
    %slice3A_140 = vector.extract_strided_slice %get3A_139 {offsets = [2, 0], sizes = [792, 3], strides = [1, 1]} : vector<800x3xf32> to vector<792x3xf32>
    %concatenate3A = tpu.concatenate %slice3A, %slice3A_14, %slice3A_23, %slice3A_32, %slice3A_41, %slice3A_50, %slice3A_59, %slice3A_68, %slice3A_77, %slice3A_86, %slice3A_95, %slice3A_104, %slice3A_113, %slice3A_122, %slice3A_131, %slice3A_140 in 1 : vector<792x3xf32>, vector<792x3xf32>, vector<792x3xf32>, vector<792x3xf32>, vector<792x3xf32>, vector<792x3xf32>, vector<792x3xf32>, vector<792x3xf32>, vector<792x3xf32>, vector<792x3xf32>, vector<792x3xf32>, vector<792x3xf32>, vector<792x3xf32>, vector<792x3xf32>, vector<792x3xf32>, vector<792x3xf32> -> vector<792x48xf32>
    %get3A_141 = arith.constant 0 : index
    %get3A_142 = arith.constant 0 : index
    %get3A_143 = vector.load %arg3[%get3A_141, %get3A_142] : memref<48x64xbf16, #tpu.memory_space<vmem>>, vector<48x64xbf16>
    %dot_general3A = arith.constant dense<0.000000e+00> : vector<792x64xf32>
    %dot_general3A_144 = tpu.matmul %concatenate3A, %get3A_143, %dot_general3A {dimension_numbers = #tpu.dot_dimension_numbers<[1], [0], [0], [1], [0, 0, 1, 1], [], []>, transpose_lhs_hint = false} : vector<792x48xf32>, vector<48x64xbf16>, vector<792x64xf32> -> vector<792x64xf32>
    %get3A_145 = arith.constant 0 : index
    %get3A_146 = arith.constant 0 : index
    %get3A_147 = vector.load %arg4[%get3A_145, %get3A_146] : memref<1x64xf32, #tpu.memory_space<vmem>>, vector<1x64xf32>
    %add3A_148 = vector.broadcast %get3A_147 : vector<1x64xf32> to vector<792x64xf32>
    %add3A_149 = arith.addf %dot_general3A_144, %add3A_148 : vector<792x64xf32>
    %max3A = arith.constant 0.000000e+00 : f32
    %max3A_150 = vector.broadcast %max3A : f32 to vector<792x64xf32>
    %max3A_151 = arith.maximumf %add3A_149, %max3A_150 : vector<792x64xf32>
    %swap3A = arith.constant 0 : index
    %swap3A_152 = arith.constant 0 : index
    %swap3A_153 = arith.constant 0 : index
    %swap3A_154 = vector.load %arg5[%swap3A, %swap3A_152, %swap3A_153] : memref<1x792x64xf32, #tpu.memory_space<vmem>>, vector<1x792x64xf32>
    %swap3A_155 = vector.shape_cast %swap3A_154 : vector<1x792x64xf32> to vector<792x64xf32>
    %swap3A_156 = vector.shape_cast %max3A_151 : vector<792x64xf32> to vector<1x792x64xf32>
    tpu.vector_store %arg5[%swap3A, %swap3A_152, %swap3A_153], %swap3A_156 {strides = array<i32>} : memref<1x792x64xf32, #tpu.memory_space<vmem>>, vector<1x792x64xf32>,
    return
  }
  func.func @transform_0(%arg0: i32, %arg1: i32) -> (i32, i32, i32) {
    %c0_i32 = arith.constant 0 : i32
    %c0_i32_0 = arith.constant 0 : i32
    %c0_i32_1 = arith.constant 0 : i32
    return %arg0, %c0_i32, %c0_i32_0 : i32, i32, i32
  }
  func.func @transform_1(%arg0: i32, %arg1: i32) -> (i32, i32) {
    %c0_i32 = arith.constant 0 : i32
    %c0_i32_0 = arith.constant 0 : i32
    %c0_i32_1 = arith.constant 0 : i32
    return %c0_i32, %c0_i32_0 : i32, i32
  }
  func.func @transform_2(%arg0: i32, %arg1: i32) -> (i32, i32) {
    %c0_i32 = arith.constant 0 : i32
    %c0_i32_0 = arith.constant 0 : i32
    %c0_i32_1 = arith.constant 0 : i32
    return %c0_i32, %c0_i32_0 : i32, i32
  }
  func.func @transform_3(%arg0: i32, %arg1: i32) -> (i32, i32, i32) {
    %c0_i32 = arith.constant 0 : i32
    %c0_i32_0 = arith.constant 0 : i32
    return %arg0, %arg1, %c0_i32 : i32, i32, i32
  }
}

module attributes {stable_mosaic.version = 14 : i64} {
  func.func @body(%arg0: i32, %arg1: i32, %arg2: memref<1x3256x256xf32, #tpu.memory_space<vmem>>, %arg3: memref<1024x128xbf16, #tpu.memory_space<vmem>>, %arg4: memref<1x128xf32, #tpu.memory_space<vmem>>, %arg5: memref<1x3192x128xf32, #tpu.memory_space<vmem>>) attributes {dimension_semantics = [#tpu.dimension_semantics<arbitrary>, #tpu.dimension_semantics<arbitrary>], iteration_bounds = array<i64: 8, 1>, scalar_prefetch = 0 : i64, scratch_operands = 0 : i64, tpu.core_type = #tpu.core_type<tc>, window_params = [{transform_indices = @transform_0, window_bounds = array<i64: 1, 3256, 256>}, {pipeline_mode = #tpu.pipeline_mode<synchronous>, transform_indices = @transform_1, window_bounds = array<i64: 1024, 128>}, {pipeline_mode = #tpu.pipeline_mode<synchronous>, transform_indices = @transform_2, window_bounds = array<i64: 1, 128>}, {transform_indices = @transform_3, window_bounds = array<i64: 1, 3192, 128>}]} {
    %get3A = arith.constant 0 : index
    %get3A_0 = arith.constant 0 : index
    %get3A_1 = arith.constant 0 : index
    %get3A_2 = vector.load %arg2[%get3A, %get3A_0, %get3A_1] : memref<1x3256x256xf32, #tpu.memory_space<vmem>>, vector<1x3192x64xf32>
    %get3A_3 = vector.shape_cast %get3A_2 : vector<1x3192x64xf32> to vector<3192x64xf32>
    %convert_element_type3A = arith.truncf %get3A_3 : vector<3192x64xf32> to vector<3192x64xbf16>
    %get3A_4 = arith.constant 0 : index
    %get3A_5 = arith.constant 0 : index
    %get3A_6 = arith.constant 64 : index
    %get3A_7 = vector.load %arg2[%get3A_4, %get3A_5, %get3A_6] : memref<1x3256x256xf32, #tpu.memory_space<vmem>>, vector<1x3192x64xf32>
    %get3A_8 = vector.shape_cast %get3A_7 : vector<1x3192x64xf32> to vector<3192x64xf32>
    %convert_element_type3A_9 = arith.truncf %get3A_8 : vector<3192x64xf32> to vector<3192x64xbf16>
    %get3A_10 = arith.constant 0 : index
    %get3A_11 = arith.constant 1 : index
    %get3A_12 = arith.constant 0 : index
    %get3A_13 = vector.load %arg2[%get3A_10, %get3A_11, %get3A_12] : memref<1x3256x256xf32, #tpu.memory_space<vmem>>, vector<1x3192x64xf32>
    %get3A_14 = vector.shape_cast %get3A_13 : vector<1x3192x64xf32> to vector<3192x64xf32>
    %convert_element_type3A_15 = arith.truncf %get3A_14 : vector<3192x64xf32> to vector<3192x64xbf16>
    %get3A_16 = arith.constant 0 : index
    %get3A_17 = arith.constant 1 : index
    %get3A_18 = arith.constant 64 : index
    %get3A_19 = vector.load %arg2[%get3A_16, %get3A_17, %get3A_18] : memref<1x3256x256xf32, #tpu.memory_space<vmem>>, vector<1x3192x64xf32>
    %get3A_20 = vector.shape_cast %get3A_19 : vector<1x3192x64xf32> to vector<3192x64xf32>
    %convert_element_type3A_21 = arith.truncf %get3A_20 : vector<3192x64xf32> to vector<3192x64xbf16>
    %get3A_22 = arith.constant 0 : index
    %get3A_23 = arith.constant 0 : index
    %get3A_24 = arith.constant 128 : index
    %get3A_25 = vector.load %arg2[%get3A_22, %get3A_23, %get3A_24] : memref<1x3256x256xf32, #tpu.memory_space<vmem>>, vector<1x3192x64xf32>
    %get3A_26 = vector.shape_cast %get3A_25 : vector<1x3192x64xf32> to vector<3192x64xf32>
    %convert_element_type3A_27 = arith.truncf %get3A_26 : vector<3192x64xf32> to vector<3192x64xbf16>
    %get3A_28 = arith.constant 0 : index
    %get3A_29 = arith.constant 0 : index
    %get3A_30 = arith.constant 192 : index
    %get3A_31 = vector.load %arg2[%get3A_28, %get3A_29, %get3A_30] : memref<1x3256x256xf32, #tpu.memory_space<vmem>>, vector<1x3192x64xf32>
    %get3A_32 = vector.shape_cast %get3A_31 : vector<1x3192x64xf32> to vector<3192x64xf32>
    %convert_element_type3A_33 = arith.truncf %get3A_32 : vector<3192x64xf32> to vector<3192x64xbf16>
    %get3A_34 = arith.constant 0 : index
    %get3A_35 = arith.constant 1 : index
    %get3A_36 = arith.constant 128 : index
    %get3A_37 = vector.load %arg2[%get3A_34, %get3A_35, %get3A_36] : memref<1x3256x256xf32, #tpu.memory_space<vmem>>, vector<1x3192x64xf32>
    %get3A_38 = vector.shape_cast %get3A_37 : vector<1x3192x64xf32> to vector<3192x64xf32>
    %convert_element_type3A_39 = arith.truncf %get3A_38 : vector<3192x64xf32> to vector<3192x64xbf16>
    %get3A_40 = arith.constant 0 : index
    %get3A_41 = arith.constant 1 : index
    %get3A_42 = arith.constant 192 : index
    %get3A_43 = vector.load %arg2[%get3A_40, %get3A_41, %get3A_42] : memref<1x3256x256xf32, #tpu.memory_space<vmem>>, vector<1x3192x64xf32>
    %get3A_44 = vector.shape_cast %get3A_43 : vector<1x3192x64xf32> to vector<3192x64xf32>
    %convert_element_type3A_45 = arith.truncf %get3A_44 : vector<3192x64xf32> to vector<3192x64xbf16>
    %get3A_46 = arith.constant 0 : index
    %get3A_47 = arith.constant 57 : index
    %get3A_48 = arith.constant 0 : index
    %get3A_49 = vector.load %arg2[%get3A_46, %get3A_47, %get3A_48] : memref<1x3256x256xf32, #tpu.memory_space<vmem>>, vector<1x3192x64xf32>
    %get3A_50 = vector.shape_cast %get3A_49 : vector<1x3192x64xf32> to vector<3192x64xf32>
    %convert_element_type3A_51 = arith.truncf %get3A_50 : vector<3192x64xf32> to vector<3192x64xbf16>
    %get3A_52 = arith.constant 0 : index
    %get3A_53 = arith.constant 57 : index
    %get3A_54 = arith.constant 64 : index
    %get3A_55 = vector.load %arg2[%get3A_52, %get3A_53, %get3A_54] : memref<1x3256x256xf32, #tpu.memory_space<vmem>>, vector<1x3192x64xf32>
    %get3A_56 = vector.shape_cast %get3A_55 : vector<1x3192x64xf32> to vector<3192x64xf32>
    %convert_element_type3A_57 = arith.truncf %get3A_56 : vector<3192x64xf32> to vector<3192x64xbf16>
    %get3A_58 = arith.constant 0 : index
    %get3A_59 = arith.constant 58 : index
    %get3A_60 = arith.constant 0 : index
    %get3A_61 = vector.load %arg2[%get3A_58, %get3A_59, %get3A_60] : memref<1x3256x256xf32, #tpu.memory_space<vmem>>, vector<1x3192x64xf32>
    %get3A_62 = vector.shape_cast %get3A_61 : vector<1x3192x64xf32> to vector<3192x64xf32>
    %convert_element_type3A_63 = arith.truncf %get3A_62 : vector<3192x64xf32> to vector<3192x64xbf16>
    %get3A_64 = arith.constant 0 : index
    %get3A_65 = arith.constant 58 : index
    %get3A_66 = arith.constant 64 : index
    %get3A_67 = vector.load %arg2[%get3A_64, %get3A_65, %get3A_66] : memref<1x3256x256xf32, #tpu.memory_space<vmem>>, vector<1x3192x64xf32>
    %get3A_68 = vector.shape_cast %get3A_67 : vector<1x3192x64xf32> to vector<3192x64xf32>
    %convert_element_type3A_69 = arith.truncf %get3A_68 : vector<3192x64xf32> to vector<3192x64xbf16>
    %get3A_70 = arith.constant 0 : index
    %get3A_71 = arith.constant 57 : index
    %get3A_72 = arith.constant 128 : index
    %get3A_73 = vector.load %arg2[%get3A_70, %get3A_71, %get3A_72] : memref<1x3256x256xf32, #tpu.memory_space<vmem>>, vector<1x3192x64xf32>
    %get3A_74 = vector.shape_cast %get3A_73 : vector<1x3192x64xf32> to vector<3192x64xf32>
    %convert_element_type3A_75 = arith.truncf %get3A_74 : vector<3192x64xf32> to vector<3192x64xbf16>
    %get3A_76 = arith.constant 0 : index
    %get3A_77 = arith.constant 57 : index
    %get3A_78 = arith.constant 192 : index
    %get3A_79 = vector.load %arg2[%get3A_76, %get3A_77, %get3A_78] : memref<1x3256x256xf32, #tpu.memory_space<vmem>>, vector<1x3192x64xf32>
    %get3A_80 = vector.shape_cast %get3A_79 : vector<1x3192x64xf32> to vector<3192x64xf32>
    %convert_element_type3A_81 = arith.truncf %get3A_80 : vector<3192x64xf32> to vector<3192x64xbf16>
    %get3A_82 = arith.constant 0 : index
    %get3A_83 = arith.constant 58 : index
    %get3A_84 = arith.constant 128 : index
    %get3A_85 = vector.load %arg2[%get3A_82, %get3A_83, %get3A_84] : memref<1x3256x256xf32, #tpu.memory_space<vmem>>, vector<1x3192x64xf32>
    %get3A_86 = vector.shape_cast %get3A_85 : vector<1x3192x64xf32> to vector<3192x64xf32>
    %convert_element_type3A_87 = arith.truncf %get3A_86 : vector<3192x64xf32> to vector<3192x64xbf16>
    %get3A_88 = arith.constant 0 : index
    %get3A_89 = arith.constant 58 : index
    %get3A_90 = arith.constant 192 : index
    %get3A_91 = vector.load %arg2[%get3A_88, %get3A_89, %get3A_90] : memref<1x3256x256xf32, #tpu.memory_space<vmem>>, vector<1x3192x64xf32>
    %get3A_92 = vector.shape_cast %get3A_91 : vector<1x3192x64xf32> to vector<3192x64xf32>
    %convert_element_type3A_93 = arith.truncf %get3A_92 : vector<3192x64xf32> to vector<3192x64xbf16>
    %concatenate3A = tpu.concatenate %convert_element_type3A, %convert_element_type3A_9, %convert_element_type3A_15, %convert_element_type3A_21, %convert_element_type3A_27, %convert_element_type3A_33, %convert_element_type3A_39, %convert_element_type3A_45, %convert_element_type3A_51, %convert_element_type3A_57, %convert_element_type3A_63, %convert_element_type3A_69, %convert_element_type3A_75, %convert_element_type3A_81, %convert_element_type3A_87, %convert_element_type3A_93 in 1 : vector<3192x64xbf16>, vector<3192x64xbf16>, vector<3192x64xbf16>, vector<3192x64xbf16>, vector<3192x64xbf16>, vector<3192x64xbf16>, vector<3192x64xbf16>, vector<3192x64xbf16>, vector<3192x64xbf16>, vector<3192x64xbf16>, vector<3192x64xbf16>, vector<3192x64xbf16>, vector<3192x64xbf16>, vector<3192x64xbf16>, vector<3192x64xbf16>, vector<3192x64xbf16> -> vector<3192x1024xbf16>
    %get3A_94 = arith.constant 0 : index
    %get3A_95 = arith.constant 0 : index
    %get3A_96 = vector.load %arg3[%get3A_94, %get3A_95] : memref<1024x128xbf16, #tpu.memory_space<vmem>>, vector<1024x128xbf16>
    %dot_general3A = arith.constant dense<0.000000e+00> : vector<3192x128xf32>
    %dot_general3A_97 = tpu.matmul %concatenate3A, %get3A_96, %dot_general3A {dimension_numbers = #tpu.dot_dimension_numbers<[1], [0], [0], [1], [0, 0, 1, 1], [], []>, transpose_lhs_hint = false} : vector<3192x1024xbf16>, vector<1024x128xbf16>, vector<3192x128xf32> -> vector<3192x128xf32>
    %get3A_98 = arith.constant 0 : index
    %get3A_99 = arith.constant 0 : index
    %get3A_100 = vector.load %arg4[%get3A_98, %get3A_99] : memref<1x128xf32, #tpu.memory_space<vmem>>, vector<1x128xf32>
    %add3A = vector.broadcast %get3A_100 : vector<1x128xf32> to vector<3192x128xf32>
    %add3A_101 = arith.addf %dot_general3A_97, %add3A : vector<3192x128xf32>
    %max3A = arith.constant 0.000000e+00 : f32
    %max3A_102 = vector.broadcast %max3A : f32 to vector<3192x128xf32>
    %max3A_103 = arith.maximumf %add3A_101, %max3A_102 : vector<3192x128xf32>
    %swap3A = arith.constant 0 : index
    %swap3A_104 = arith.constant 0 : index
    %swap3A_105 = arith.constant 0 : index
    %swap3A_106 = vector.load %arg5[%swap3A, %swap3A_104, %swap3A_105] : memref<1x3192x128xf32, #tpu.memory_space<vmem>>, vector<1x3192x128xf32>
    %swap3A_107 = vector.shape_cast %swap3A_106 : vector<1x3192x128xf32> to vector<3192x128xf32>
    %swap3A_108 = vector.shape_cast %max3A_103 : vector<3192x128xf32> to vector<1x3192x128xf32>
    tpu.vector_store %arg5[%swap3A, %swap3A_104, %swap3A_105], %swap3A_108 {strides = array<i32>} : memref<1x3192x128xf32, #tpu.memory_space<vmem>>, vector<1x3192x128xf32>,
    return
  }
  func.func @transform_0(%arg0: i32, %arg1: i32) -> (i32, i32, i32) {
    %c0_i32 = arith.constant 0 : i32
    %c0_i32_0 = arith.constant 0 : i32
    %c0_i32_1 = arith.constant 0 : i32
    return %arg0, %c0_i32, %c0_i32_0 : i32, i32, i32
  }
  func.func @transform_1(%arg0: i32, %arg1: i32) -> (i32, i32) {
    %c0_i32 = arith.constant 0 : i32
    %c0_i32_0 = arith.constant 0 : i32
    %c0_i32_1 = arith.constant 0 : i32
    return %c0_i32, %c0_i32_0 : i32, i32
  }
  func.func @transform_2(%arg0: i32, %arg1: i32) -> (i32, i32) {
    %c0_i32 = arith.constant 0 : i32
    %c0_i32_0 = arith.constant 0 : i32
    %c0_i32_1 = arith.constant 0 : i32
    return %c0_i32, %c0_i32_0 : i32, i32
  }
  func.func @transform_3(%arg0: i32, %arg1: i32) -> (i32, i32, i32) {
    %c0_i32 = arith.constant 0 : i32
    %c0_i32_0 = arith.constant 0 : i32
    return %arg0, %arg1, %c0_i32 : i32, i32, i32
  }
}

module attributes {stable_mosaic.version = 14 : i64} {
  func.func @body(%arg0: i32, %arg1: i32, %arg2: memref<1x3376x128xf32, #tpu.memory_space<vmem>>, %arg3: memref<1152x128xf32, #tpu.memory_space<vmem>>, %arg4: memref<1x128xf32, #tpu.memory_space<vmem>>, %arg5: memref<1x3248x128xf32, #tpu.memory_space<vmem>>) attributes {dimension_semantics = [#tpu.dimension_semantics<arbitrary>, #tpu.dimension_semantics<arbitrary>], iteration_bounds = array<i64: 8, 1>, scalar_prefetch = 0 : i64, scratch_operands = 0 : i64, tpu.core_type = #tpu.core_type<tc>, window_params = [{transform_indices = @transform_0, window_bounds = array<i64: 1, 3376, 128>}, {pipeline_mode = #tpu.pipeline_mode<synchronous>, transform_indices = @transform_1, window_bounds = array<i64: 1152, 128>}, {pipeline_mode = #tpu.pipeline_mode<synchronous>, transform_indices = @transform_2, window_bounds = array<i64: 1, 128>}, {transform_indices = @transform_3, window_bounds = array<i64: 1, 3248, 128>}]} {
    %get3A = arith.constant 0 : index
    %get3A_0 = arith.constant 0 : index
    %get3A_1 = arith.constant 0 : index
    %get3A_2 = vector.load %arg2[%get3A, %get3A_0, %get3A_1] : memref<1x3376x128xf32, #tpu.memory_space<vmem>>, vector<1x3248x128xf32>
    %get3A_3 = vector.shape_cast %get3A_2 : vector<1x3248x128xf32> to vector<3248x128xf32>
    %get3A_4 = arith.constant 0 : index
    %get3A_5 = arith.constant 1 : index
    %get3A_6 = arith.constant 0 : index
    %get3A_7 = vector.load %arg2[%get3A_4, %get3A_5, %get3A_6] : memref<1x3376x128xf32, #tpu.memory_space<vmem>>, vector<1x3248x128xf32>
    %get3A_8 = vector.shape_cast %get3A_7 : vector<1x3248x128xf32> to vector<3248x128xf32>
    %get3A_9 = arith.constant 0 : index
    %get3A_10 = arith.constant 2 : index
    %get3A_11 = arith.constant 0 : index
    %get3A_12 = vector.load %arg2[%get3A_9, %get3A_10, %get3A_11] : memref<1x3376x128xf32, #tpu.memory_space<vmem>>, vector<1x3248x128xf32>
    %get3A_13 = vector.shape_cast %get3A_12 : vector<1x3248x128xf32> to vector<3248x128xf32>
    %get3A_14 = arith.constant 0 : index
    %get3A_15 = arith.constant 58 : index
    %get3A_16 = arith.constant 0 : index
    %get3A_17 = vector.load %arg2[%get3A_14, %get3A_15, %get3A_16] : memref<1x3376x128xf32, #tpu.memory_space<vmem>>, vector<1x3248x128xf32>
    %get3A_18 = vector.shape_cast %get3A_17 : vector<1x3248x128xf32> to vector<3248x128xf32>
    %get3A_19 = arith.constant 0 : index
    %get3A_20 = arith.constant 59 : index
    %get3A_21 = arith.constant 0 : index
    %get3A_22 = vector.load %arg2[%get3A_19, %get3A_20, %get3A_21] : memref<1x3376x128xf32, #tpu.memory_space<vmem>>, vector<1x3248x128xf32>
    %get3A_23 = vector.shape_cast %get3A_22 : vector<1x3248x128xf32> to vector<3248x128xf32>
    %get3A_24 = arith.constant 0 : index
    %get3A_25 = arith.constant 60 : index
    %get3A_26 = arith.constant 0 : index
    %get3A_27 = vector.load %arg2[%get3A_24, %get3A_25, %get3A_26] : memref<1x3376x128xf32, #tpu.memory_space<vmem>>, vector<1x3248x128xf32>
    %get3A_28 = vector.shape_cast %get3A_27 : vector<1x3248x128xf32> to vector<3248x128xf32>
    %get3A_29 = arith.constant 0 : index
    %get3A_30 = arith.constant 116 : index
    %get3A_31 = arith.constant 0 : index
    %get3A_32 = vector.load %arg2[%get3A_29, %get3A_30, %get3A_31] : memref<1x3376x128xf32, #tpu.memory_space<vmem>>, vector<1x3248x128xf32>
    %get3A_33 = vector.shape_cast %get3A_32 : vector<1x3248x128xf32> to vector<3248x128xf32>
    %get3A_34 = arith.constant 0 : index
    %get3A_35 = arith.constant 117 : index
    %get3A_36 = arith.constant 0 : index
    %get3A_37 = vector.load %arg2[%get3A_34, %get3A_35, %get3A_36] : memref<1x3376x128xf32, #tpu.memory_space<vmem>>, vector<1x3248x128xf32>
    %get3A_38 = vector.shape_cast %get3A_37 : vector<1x3248x128xf32> to vector<3248x128xf32>
    %get3A_39 = arith.constant 0 : index
    %get3A_40 = arith.constant 118 : index
    %get3A_41 = arith.constant 0 : index
    %get3A_42 = vector.load %arg2[%get3A_39, %get3A_40, %get3A_41] : memref<1x3376x128xf32, #tpu.memory_space<vmem>>, vector<1x3248x128xf32>
    %get3A_43 = vector.shape_cast %get3A_42 : vector<1x3248x128xf32> to vector<3248x128xf32>
    %concatenate3A = tpu.concatenate %get3A_3, %get3A_8, %get3A_13, %get3A_18, %get3A_23, %get3A_28, %get3A_33, %get3A_38, %get3A_43 in 1 : vector<3248x128xf32>, vector<3248x128xf32>, vector<3248x128xf32>, vector<3248x128xf32>, vector<3248x128xf32>, vector<3248x128xf32>, vector<3248x128xf32>, vector<3248x128xf32>, vector<3248x128xf32> -> vector<3248x1152xf32>
    %get3A_44 = arith.constant 0 : index
    %get3A_45 = arith.constant 0 : index
    %get3A_46 = vector.load %arg3[%get3A_44, %get3A_45] : memref<1152x128xf32, #tpu.memory_space<vmem>>, vector<1152x128xf32>
    %dot_general3A = arith.constant dense<0.000000e+00> : vector<3248x128xf32>
    %dot_general3A_47 = tpu.matmul %concatenate3A, %get3A_46, %dot_general3A {dimension_numbers = #tpu.dot_dimension_numbers<[1], [0], [0], [1], [0, 0, 1, 1], [], []>, transpose_lhs_hint = false} : vector<3248x1152xf32>, vector<1152x128xf32>, vector<3248x128xf32> -> vector<3248x128xf32>
    %get3A_48 = arith.constant 0 : index
    %get3A_49 = arith.constant 0 : index
    %get3A_50 = vector.load %arg4[%get3A_48, %get3A_49] : memref<1x128xf32, #tpu.memory_space<vmem>>, vector<1x128xf32>
    %add3A = vector.broadcast %get3A_50 : vector<1x128xf32> to vector<3248x128xf32>
    %add3A_51 = arith.addf %dot_general3A_47, %add3A : vector<3248x128xf32>
    %swap3A = arith.constant 0 : index
    %swap3A_52 = arith.constant 0 : index
    %swap3A_53 = arith.constant 0 : index
    %swap3A_54 = vector.load %arg5[%swap3A, %swap3A_52, %swap3A_53] : memref<1x3248x128xf32, #tpu.memory_space<vmem>>, vector<1x3248x128xf32>
    %swap3A_55 = vector.shape_cast %swap3A_54 : vector<1x3248x128xf32> to vector<3248x128xf32>
    %swap3A_56 = vector.shape_cast %add3A_51 : vector<3248x128xf32> to vector<1x3248x128xf32>
    tpu.vector_store %arg5[%swap3A, %swap3A_52, %swap3A_53], %swap3A_56 {strides = array<i32>} : memref<1x3248x128xf32, #tpu.memory_space<vmem>>, vector<1x3248x128xf32>,
    return
  }
  func.func @transform_0(%arg0: i32, %arg1: i32) -> (i32, i32, i32) {
    %c0_i32 = arith.constant 0 : i32
    %c0_i32_0 = arith.constant 0 : i32
    %c0_i32_1 = arith.constant 0 : i32
    return %arg0, %c0_i32, %c0_i32_0 : i32, i32, i32
  }
  func.func @transform_1(%arg0: i32, %arg1: i32) -> (i32, i32) {
    %c0_i32 = arith.constant 0 : i32
    %c0_i32_0 = arith.constant 0 : i32
    %c0_i32_1 = arith.constant 0 : i32
    return %c0_i32, %c0_i32_0 : i32, i32
  }
  func.func @transform_2(%arg0: i32, %arg1: i32) -> (i32, i32) {
    %c0_i32 = arith.constant 0 : i32
    %c0_i32_0 = arith.constant 0 : i32
    %c0_i32_1 = arith.constant 0 : i32
    return %c0_i32, %c0_i32_0 : i32, i32
  }
  func.func @transform_3(%arg0: i32, %arg1: i32) -> (i32, i32, i32) {
    %c0_i32 = arith.constant 0 : i32
    %c0_i32_0 = arith.constant 0 : i32
    return %arg0, %arg1, %c0_i32 : i32, i32, i32
  }
}

module attributes {stable_mosaic.version = 14 : i64} {
  func.func @body(%arg0: i32, %arg1: memref<1x3376x128xf32, #tpu.memory_space<vmem>>, %arg2: memref<1152x64xbf16, #tpu.memory_space<vmem>>, %arg3: memref<1x64x128xf32, #tpu.memory_space<vmem>>, %arg4: memref<1x3248x128xf32, #tpu.memory_space<vmem>>) attributes {dimension_semantics = [#tpu.dimension_semantics<arbitrary>], iteration_bounds = array<i64: 8>, scalar_prefetch = 0 : i64, scratch_operands = 0 : i64, tpu.core_type = #tpu.core_type<tc>, window_params = [{transform_indices = @transform_0, window_bounds = array<i64: 1, 3376, 128>}, {pipeline_mode = #tpu.pipeline_mode<synchronous>, transform_indices = @transform_1, window_bounds = array<i64: 1152, 64>}, {pipeline_mode = #tpu.pipeline_mode<synchronous>, transform_indices = @transform_2, window_bounds = array<i64: 1, 64, 128>}, {transform_indices = @transform_3, window_bounds = array<i64: 1, 3248, 128>}]} {
    %get3A = arith.constant 0 : index
    %get3A_0 = arith.constant 0 : index
    %get3A_1 = arith.constant 0 : index
    %get3A_2 = vector.load %arg1[%get3A, %get3A_0, %get3A_1] : memref<1x3376x128xf32, #tpu.memory_space<vmem>>, vector<1x3248x128xf32>
    %get3A_3 = vector.shape_cast %get3A_2 : vector<1x3248x128xf32> to vector<3248x128xf32>
    %max3A = arith.constant 0.000000e+00 : f32
    %max3A_4 = vector.broadcast %max3A : f32 to vector<3248x128xf32>
    %max3A_5 = arith.maximumf %get3A_3, %max3A_4 : vector<3248x128xf32>
    %get3A_6 = arith.constant 0 : index
    %get3A_7 = arith.constant 1 : index
    %get3A_8 = arith.constant 0 : index
    %get3A_9 = vector.load %arg1[%get3A_6, %get3A_7, %get3A_8] : memref<1x3376x128xf32, #tpu.memory_space<vmem>>, vector<1x3248x128xf32>
    %get3A_10 = vector.shape_cast %get3A_9 : vector<1x3248x128xf32> to vector<3248x128xf32>
    %max3A_11 = arith.constant 0.000000e+00 : f32
    %max3A_12 = vector.broadcast %max3A_11 : f32 to vector<3248x128xf32>
    %max3A_13 = arith.maximumf %get3A_10, %max3A_12 : vector<3248x128xf32>
    %get3A_14 = arith.constant 0 : index
    %get3A_15 = arith.constant 2 : index
    %get3A_16 = arith.constant 0 : index
    %get3A_17 = vector.load %arg1[%get3A_14, %get3A_15, %get3A_16] : memref<1x3376x128xf32, #tpu.memory_space<vmem>>, vector<1x3248x128xf32>
    %get3A_18 = vector.shape_cast %get3A_17 : vector<1x3248x128xf32> to vector<3248x128xf32>
    %max3A_19 = arith.constant 0.000000e+00 : f32
    %max3A_20 = vector.broadcast %max3A_19 : f32 to vector<3248x128xf32>
    %max3A_21 = arith.maximumf %get3A_18, %max3A_20 : vector<3248x128xf32>
    %get3A_22 = arith.constant 0 : index
    %get3A_23 = arith.constant 58 : index
    %get3A_24 = arith.constant 0 : index
    %get3A_25 = vector.load %arg1[%get3A_22, %get3A_23, %get3A_24] : memref<1x3376x128xf32, #tpu.memory_space<vmem>>, vector<1x3248x128xf32>
    %get3A_26 = vector.shape_cast %get3A_25 : vector<1x3248x128xf32> to vector<3248x128xf32>
    %max3A_27 = arith.constant 0.000000e+00 : f32
    %max3A_28 = vector.broadcast %max3A_27 : f32 to vector<3248x128xf32>
    %max3A_29 = arith.maximumf %get3A_26, %max3A_28 : vector<3248x128xf32>
    %get3A_30 = arith.constant 0 : index
    %get3A_31 = arith.constant 59 : index
    %get3A_32 = arith.constant 0 : index
    %get3A_33 = vector.load %arg1[%get3A_30, %get3A_31, %get3A_32] : memref<1x3376x128xf32, #tpu.memory_space<vmem>>, vector<1x3248x128xf32>
    %get3A_34 = vector.shape_cast %get3A_33 : vector<1x3248x128xf32> to vector<3248x128xf32>
    %max3A_35 = arith.constant 0.000000e+00 : f32
    %max3A_36 = vector.broadcast %max3A_35 : f32 to vector<3248x128xf32>
    %max3A_37 = arith.maximumf %get3A_34, %max3A_36 : vector<3248x128xf32>
    %get3A_38 = arith.constant 0 : index
    %get3A_39 = arith.constant 60 : index
    %get3A_40 = arith.constant 0 : index
    %get3A_41 = vector.load %arg1[%get3A_38, %get3A_39, %get3A_40] : memref<1x3376x128xf32, #tpu.memory_space<vmem>>, vector<1x3248x128xf32>
    %get3A_42 = vector.shape_cast %get3A_41 : vector<1x3248x128xf32> to vector<3248x128xf32>
    %max3A_43 = arith.constant 0.000000e+00 : f32
    %max3A_44 = vector.broadcast %max3A_43 : f32 to vector<3248x128xf32>
    %max3A_45 = arith.maximumf %get3A_42, %max3A_44 : vector<3248x128xf32>
    %get3A_46 = arith.constant 0 : index
    %get3A_47 = arith.constant 116 : index
    %get3A_48 = arith.constant 0 : index
    %get3A_49 = vector.load %arg1[%get3A_46, %get3A_47, %get3A_48] : memref<1x3376x128xf32, #tpu.memory_space<vmem>>, vector<1x3248x128xf32>
    %get3A_50 = vector.shape_cast %get3A_49 : vector<1x3248x128xf32> to vector<3248x128xf32>
    %max3A_51 = arith.constant 0.000000e+00 : f32
    %max3A_52 = vector.broadcast %max3A_51 : f32 to vector<3248x128xf32>
    %max3A_53 = arith.maximumf %get3A_50, %max3A_52 : vector<3248x128xf32>
    %get3A_54 = arith.constant 0 : index
    %get3A_55 = arith.constant 117 : index
    %get3A_56 = arith.constant 0 : index
    %get3A_57 = vector.load %arg1[%get3A_54, %get3A_55, %get3A_56] : memref<1x3376x128xf32, #tpu.memory_space<vmem>>, vector<1x3248x128xf32>
    %get3A_58 = vector.shape_cast %get3A_57 : vector<1x3248x128xf32> to vector<3248x128xf32>
    %max3A_59 = arith.constant 0.000000e+00 : f32
    %max3A_60 = vector.broadcast %max3A_59 : f32 to vector<3248x128xf32>
    %max3A_61 = arith.maximumf %get3A_58, %max3A_60 : vector<3248x128xf32>
    %get3A_62 = arith.constant 0 : index
    %get3A_63 = arith.constant 118 : index
    %get3A_64 = arith.constant 0 : index
    %get3A_65 = vector.load %arg1[%get3A_62, %get3A_63, %get3A_64] : memref<1x3376x128xf32, #tpu.memory_space<vmem>>, vector<1x3248x128xf32>
    %get3A_66 = vector.shape_cast %get3A_65 : vector<1x3248x128xf32> to vector<3248x128xf32>
    %max3A_67 = arith.constant 0.000000e+00 : f32
    %max3A_68 = vector.broadcast %max3A_67 : f32 to vector<3248x128xf32>
    %max3A_69 = arith.maximumf %get3A_66, %max3A_68 : vector<3248x128xf32>
    %concatenate3A = tpu.concatenate %max3A_5, %max3A_13, %max3A_21, %max3A_29, %max3A_37, %max3A_45, %max3A_53, %max3A_61, %max3A_69 in 1 : vector<3248x128xf32>, vector<3248x128xf32>, vector<3248x128xf32>, vector<3248x128xf32>, vector<3248x128xf32>, vector<3248x128xf32>, vector<3248x128xf32>, vector<3248x128xf32>, vector<3248x128xf32> -> vector<3248x1152xf32>
    %get3A_70 = arith.constant 0 : index
    %get3A_71 = arith.constant 0 : index
    %get3A_72 = vector.load %arg2[%get3A_70, %get3A_71] : memref<1152x64xbf16, #tpu.memory_space<vmem>>, vector<1152x64xbf16>
    %dot_general3A = arith.constant dense<0.000000e+00> : vector<3248x64xf32>
    %dot_general3A_73 = tpu.matmul %concatenate3A, %get3A_72, %dot_general3A {dimension_numbers = #tpu.dot_dimension_numbers<[1], [0], [0], [1], [0, 0, 1, 1], [], []>, transpose_lhs_hint = false} : vector<3248x1152xf32>, vector<1152x64xbf16>, vector<3248x64xf32> -> vector<3248x64xf32>
    %convert_element_type3A = arith.truncf %dot_general3A_73 : vector<3248x64xf32> to vector<3248x64xbf16>
    %max3A_74 = arith.constant 0.000000e+00 : bf16
    %max3A_75 = vector.broadcast %max3A_74 : bf16 to vector<3248x64xbf16>
    %max3A_76 = arith.maximumf %convert_element_type3A, %max3A_75 : vector<3248x64xbf16>
    %get3A_77 = arith.constant 0 : index
    %get3A_78 = arith.constant 0 : index
    %get3A_79 = arith.constant 0 : index
    %get3A_80 = vector.load %arg3[%get3A_77, %get3A_78, %get3A_79] : memref<1x64x128xf32, #tpu.memory_space<vmem>>, vector<1x64x128xf32>
    %get3A_81 = vector.shape_cast %get3A_80 : vector<1x64x128xf32> to vector<64x128xf32>
    %dot_general3A_82 = arith.constant dense<0.000000e+00> : vector<3248x128xf32>
    %dot_general3A_83 = tpu.matmul %max3A_76, %get3A_81, %dot_general3A_82 {dimension_numbers = #tpu.dot_dimension_numbers<[1], [0], [0], [1], [0, 0, 1, 1], [], []>, transpose_lhs_hint = false} : vector<3248x64xbf16>, vector<64x128xf32>, vector<3248x128xf32> -> vector<3248x128xf32>
    %get3A_84 = arith.constant 0 : index
    %get3A_85 = arith.constant 59 : index
    %get3A_86 = arith.constant 0 : index
    %get3A_87 = vector.load %arg1[%get3A_84, %get3A_85, %get3A_86] : memref<1x3376x128xf32, #tpu.memory_space<vmem>>, vector<1x3248x128xf32>
    %get3A_88 = vector.shape_cast %get3A_87 : vector<1x3248x128xf32> to vector<3248x128xf32>
    %add3A = arith.addf %get3A_88, %dot_general3A_83 : vector<3248x128xf32>
    %swap3A = arith.constant 0 : index
    %swap3A_89 = arith.constant 0 : index
    %swap3A_90 = arith.constant 0 : index
    %swap3A_91 = vector.load %arg4[%swap3A, %swap3A_89, %swap3A_90] : memref<1x3248x128xf32, #tpu.memory_space<vmem>>, vector<1x3248x128xf32>
    %swap3A_92 = vector.shape_cast %swap3A_91 : vector<1x3248x128xf32> to vector<3248x128xf32>
    %swap3A_93 = vector.shape_cast %add3A : vector<3248x128xf32> to vector<1x3248x128xf32>
    tpu.vector_store %arg4[%swap3A, %swap3A_89, %swap3A_90], %swap3A_93 {strides = array<i32>} : memref<1x3248x128xf32, #tpu.memory_space<vmem>>, vector<1x3248x128xf32>,
    return
  }
  func.func @transform_0(%arg0: i32) -> (i32, i32, i32) {
    %c0_i32 = arith.constant 0 : i32
    %c0_i32_0 = arith.constant 0 : i32
    %c0_i32_1 = arith.constant 0 : i32
    return %arg0, %c0_i32, %c0_i32_0 : i32, i32, i32
  }
  func.func @transform_1(%arg0: i32) -> (i32, i32) {
    %c0_i32 = arith.constant 0 : i32
    %c0_i32_0 = arith.constant 0 : i32
    %c0_i32_1 = arith.constant 0 : i32
    return %c0_i32, %c0_i32_0 : i32, i32
  }
  func.func @transform_2(%arg0: i32) -> (i32, i32, i32) {
    %c0_i32 = arith.constant 0 : i32
    %c0_i32_0 = arith.constant 0 : i32
    %c0_i32_1 = arith.constant 0 : i32
    %c0_i32_2 = arith.constant 0 : i32
    return %c0_i32, %c0_i32_0, %c0_i32_1 : i32, i32, i32
  }
  func.func @transform_3(%arg0: i32) -> (i32, i32, i32) {
    %c0_i32 = arith.constant 0 : i32
    %c0_i32_0 = arith.constant 0 : i32
    %c0_i32_1 = arith.constant 0 : i32
    return %arg0, %c0_i32, %c0_i32_0 : i32, i32, i32
  }
}

module attributes {stable_mosaic.version = 14 : i64} {
  func.func @body(%arg0: i32, %arg1: memref<1x3136x128xf32, #tpu.memory_space<vmem>>, %arg2: memref<128x64xf32, #tpu.memory_space<vmem>>, %arg3: memref<1x64xf32, #tpu.memory_space<vmem>>, %arg4: memref<64x512xf32, #tpu.memory_space<vmem>>, %arg5: memref<1x3136x64xf32, #tpu.memory_space<vmem>>, %arg6: memref<1x1x3136xi32, #tpu.memory_space<vmem>>) attributes {dimension_semantics = [#tpu.dimension_semantics<arbitrary>], iteration_bounds = array<i64: 8>, scalar_prefetch = 0 : i64, scratch_operands = 0 : i64, tpu.core_type = #tpu.core_type<tc>, window_params = [{transform_indices = @transform_0, window_bounds = array<i64: 1, 3136, 128>}, {pipeline_mode = #tpu.pipeline_mode<synchronous>, transform_indices = @transform_1, window_bounds = array<i64: 128, 64>}, {pipeline_mode = #tpu.pipeline_mode<synchronous>, transform_indices = @transform_2, window_bounds = array<i64: 1, 64>}, {pipeline_mode = #tpu.pipeline_mode<synchronous>, transform_indices = @transform_3, window_bounds = array<i64: 64, 512>}, {transform_indices = @transform_4, window_bounds = array<i64: 1, 3136, 64>}, {transform_indices = @transform_5, window_bounds = array<i64: 1, 1, 3136>}]} {
    %get3A = arith.constant 0 : index
    %get3A_0 = arith.constant 0 : index
    %get3A_1 = arith.constant 0 : index
    %get3A_2 = vector.load %arg1[%get3A, %get3A_0, %get3A_1] : memref<1x3136x128xf32, #tpu.memory_space<vmem>>, vector<1x3136x128xf32>
    %get3A_3 = vector.shape_cast %get3A_2 : vector<1x3136x128xf32> to vector<3136x128xf32>
    %max3A = arith.constant 0.000000e+00 : f32
    %max3A_4 = vector.broadcast %max3A : f32 to vector<3136x128xf32>
    %max3A_5 = arith.maximumf %get3A_3, %max3A_4 : vector<3136x128xf32>
    %get3A_6 = arith.constant 0 : index
    %get3A_7 = arith.constant 0 : index
    %get3A_8 = vector.load %arg2[%get3A_6, %get3A_7] : memref<128x64xf32, #tpu.memory_space<vmem>>, vector<128x64xf32>
    %dot_general3A = arith.constant dense<0.000000e+00> : vector<3136x64xf32>
    %dot_general3A_9 = tpu.matmul %max3A_5, %get3A_8, %dot_general3A {dimension_numbers = #tpu.dot_dimension_numbers<[1], [0], [0], [1], [0, 0, 1, 1], [], []>, transpose_lhs_hint = false} : vector<3136x128xf32>, vector<128x64xf32>, vector<3136x64xf32> -> vector<3136x64xf32>
    %get3A_10 = arith.constant 0 : index
    %get3A_11 = arith.constant 0 : index
    %get3A_12 = vector.load %arg3[%get3A_10, %get3A_11] : memref<1x64xf32, #tpu.memory_space<vmem>>, vector<1x64xf32>
    %add3A = vector.broadcast %get3A_12 : vector<1x64xf32> to vector<3136x64xf32>
    %add3A_13 = arith.addf %dot_general3A_9, %add3A : vector<3136x64xf32>
    %get3A_14 = arith.constant 0 : index
    %get3A_15 = arith.constant 0 : index
    %get3A_16 = vector.load %arg4[%get3A_14, %get3A_15] : memref<64x512xf32, #tpu.memory_space<vmem>>, vector<64x512xf32>
    %mul3A = arith.mulf %add3A_13, %add3A_13 : vector<3136x64xf32>
    %reduce_sum3A = arith.constant dense<0.000000e+00> : vector<3136xf32>
    %reduce_sum3A_17 = vector.multi_reduction <add>, %mul3A, %reduce_sum3A [1] : vector<3136x64xf32> to vector<3136xf32>
    %broadcast_in_dim3A = vector.shape_cast %reduce_sum3A_17 : vector<3136xf32> to vector<3136x1xf32>
    %mul3A_18 = arith.mulf %get3A_16, %get3A_16 : vector<64x512xf32>
    %reduce_sum3A_19 = arith.constant dense<0.000000e+00> : vector<512xf32>
    %reduce_sum3A_20 = vector.multi_reduction <add>, %mul3A_18, %reduce_sum3A_19 [0] : vector<64x512xf32> to vector<512xf32>
    %broadcast_in_dim3A_21 = vector.shape_cast %reduce_sum3A_20 : vector<512xf32> to vector<1x512xf32>
    %convert_element_type3A = arith.truncf %add3A_13 : vector<3136x64xf32> to vector<3136x64xbf16>
    %dot_general3A_22 = arith.constant dense<0.000000e+00> : vector<3136x512xf32>
    %dot_general3A_23 = tpu.matmul %convert_element_type3A, %get3A_16, %dot_general3A_22 {dimension_numbers = #tpu.dot_dimension_numbers<[1], [0], [0], [1], [0, 0, 1, 1], [], []>, transpose_lhs_hint = false} : vector<3136x64xbf16>, vector<64x512xf32>, vector<3136x512xf32> -> vector<3136x512xf32>
    %mul3A_24 = arith.constant 2.000000e+00 : f32
    %mul3A_25 = vector.broadcast %mul3A_24 : f32 to vector<3136x512xf32>
    %mul3A_26 = arith.mulf %mul3A_25, %dot_general3A_23 : vector<3136x512xf32>
    %sub3A = vector.broadcast %broadcast_in_dim3A : vector<3136x1xf32> to vector<3136x512xf32>
    %sub3A_27 = arith.subf %sub3A, %mul3A_26 : vector<3136x512xf32>
    %add3A_28 = vector.broadcast %broadcast_in_dim3A_21 : vector<1x512xf32> to vector<3136x512xf32>
    %add3A_29 = arith.addf %sub3A_27, %add3A_28 : vector<3136x512xf32>
    %max3A_30 = arith.constant 0.000000e+00 : f32
    %max3A_31 = vector.broadcast %max3A_30 : f32 to vector<3136x512xf32>
    %max3A_32 = arith.maximumf %add3A_29, %max3A_31 : vector<3136x512xf32>
    %sqrt3A = math.sqrt %max3A_32 : vector<3136x512xf32>
    %reduce_min3A = arith.constant dense<0x7F800000> : vector<3136xf32>
    %reduce_min3A_33 = vector.multi_reduction <minimumf>, %sqrt3A, %reduce_min3A [1] : vector<3136x512xf32> to vector<3136xf32>
    %broadcast_in_dim3A_34 = vector.shape_cast %reduce_min3A_33 : vector<3136xf32> to vector<3136x1xf32>
    %iota3A = tpu.iota {dimensions = array<i32: 1>} : vector<3136x512xi32>
    %eq3A = vector.broadcast %broadcast_in_dim3A_34 : vector<3136x1xf32> to vector<3136x512xf32>
    %eq3A_35 = arith.cmpf oeq, %sqrt3A, %eq3A : vector<3136x512xf32>
    %jit3A = arith.constant 512 : i32
    %broadcast_in_dim3A_36 = vector.broadcast %jit3A : i32 to vector<3136x512xi32>
    %select_n3A = arith.select %eq3A_35, %iota3A, %broadcast_in_dim3A_36 : vector<3136x512xi1>, vector<3136x512xi32>
    %reduce_min3A_37 = arith.constant dense<2147483647> : vector<3136xi32>
    %reduce_min3A_38 = vector.multi_reduction <minsi>, %select_n3A, %reduce_min3A_37 [1] : vector<3136x512xi32> to vector<3136xi32>
    %swap3A = arith.constant 0 : index
    %swap3A_39 = arith.constant 0 : index
    %swap3A_40 = arith.constant 0 : index
    %swap3A_41 = vector.load %arg5[%swap3A, %swap3A_39, %swap3A_40] : memref<1x3136x64xf32, #tpu.memory_space<vmem>>, vector<1x3136x64xf32>
    %swap3A_42 = vector.shape_cast %swap3A_41 : vector<1x3136x64xf32> to vector<3136x64xf32>
    %swap3A_43 = vector.shape_cast %add3A_13 : vector<3136x64xf32> to vector<1x3136x64xf32>
    tpu.vector_store %arg5[%swap3A, %swap3A_39, %swap3A_40], %swap3A_43 {strides = array<i32>} : memref<1x3136x64xf32, #tpu.memory_space<vmem>>, vector<1x3136x64xf32>,
    %swap3A_44 = arith.constant 0 : index
    %swap3A_45 = arith.constant 0 : index
    %swap3A_46 = arith.constant 0 : index
    %swap3A_47 = vector.load %arg6[%swap3A_44, %swap3A_45, %swap3A_46] : memref<1x1x3136xi32, #tpu.memory_space<vmem>>, vector<1x1x3136xi32>
    %swap3A_48 = vector.shape_cast %swap3A_47 : vector<1x1x3136xi32> to vector<3136xi32>
    %swap3A_49 = vector.shape_cast %reduce_min3A_38 : vector<3136xi32> to vector<1x1x3136xi32>
    tpu.vector_store %arg6[%swap3A_44, %swap3A_45, %swap3A_46], %swap3A_49 {strides = array<i32>} : memref<1x1x3136xi32, #tpu.memory_space<vmem>>, vector<1x1x3136xi32>,
    return
  }
  func.func @transform_0(%arg0: i32) -> (i32, i32, i32) {
    %c0_i32 = arith.constant 0 : i32
    %c0_i32_0 = arith.constant 0 : i32
    %c0_i32_1 = arith.constant 0 : i32
    return %arg0, %c0_i32, %c0_i32_0 : i32, i32, i32
  }
  func.func @transform_1(%arg0: i32) -> (i32, i32) {
    %c0_i32 = arith.constant 0 : i32
    %c0_i32_0 = arith.constant 0 : i32
    %c0_i32_1 = arith.constant 0 : i32
    return %c0_i32, %c0_i32_0 : i32, i32
  }
  func.func @transform_2(%arg0: i32) -> (i32, i32) {
    %c0_i32 = arith.constant 0 : i32
    %c0_i32_0 = arith.constant 0 : i32
    %c0_i32_1 = arith.constant 0 : i32
    return %c0_i32, %c0_i32_0 : i32, i32
  }
  func.func @transform_3(%arg0: i32) -> (i32, i32) {
    %c0_i32 = arith.constant 0 : i32
    %c0_i32_0 = arith.constant 0 : i32
    %c0_i32_1 = arith.constant 0 : i32
    return %c0_i32, %c0_i32_0 : i32, i32
  }
  func.func @transform_4(%arg0: i32) -> (i32, i32, i32) {
    %c0_i32 = arith.constant 0 : i32
    %c0_i32_0 = arith.constant 0 : i32
    %c0_i32_1 = arith.constant 0 : i32
    return %arg0, %c0_i32, %c0_i32_0 : i32, i32, i32
  }
  func.func @transform_5(%arg0: i32) -> (i32, i32, i32) {
    %c0_i32 = arith.constant 0 : i32
    %c0_i32_0 = arith.constant 0 : i32
    %c0_i32_1 = arith.constant 0 : i32
    return %arg0, %c0_i32, %c0_i32_0 : i32, i32, i32
  }
}

module attributes {stable_mosaic.version = 14 : i64} {
  func.func @body(%arg0: i32, %arg1: memref<1x3376x128xf32, #tpu.memory_space<vmem>>, %arg2: memref<1x3248x64xf32, #tpu.memory_space<vmem>>, %arg3: memref<9x128x64xf32, #tpu.memory_space<vmem>>, %arg4: memref<1x64xf32, #tpu.memory_space<vmem>>, %arg5: memref<1x3248x64xf32, #tpu.memory_space<vmem>>, %arg6: memref<8x128xf32, #tpu.memory_space<vmem>>) attributes {dimension_semantics = [#tpu.dimension_semantics<arbitrary>], iteration_bounds = array<i64: 8>, scalar_prefetch = 0 : i64, scratch_operands = 0 : i64, tpu.core_type = #tpu.core_type<tc>, window_params = [{transform_indices = @transform_0, window_bounds = array<i64: 1, 3376, 128>}, {transform_indices = @transform_1, window_bounds = array<i64: 1, 3248, 64>}, {pipeline_mode = #tpu.pipeline_mode<synchronous>, transform_indices = @transform_2, window_bounds = array<i64: 9, 128, 64>}, {pipeline_mode = #tpu.pipeline_mode<synchronous>, transform_indices = @transform_3, window_bounds = array<i64: 1, 64>}, {transform_indices = @transform_4, window_bounds = array<i64: 1, 3248, 64>}, {pipeline_mode = #tpu.pipeline_mode<synchronous>, transform_indices = @transform_5, window_bounds = array<i64: 8, 128>}]} {
    %get3A = arith.constant 0 : index
    %get3A_0 = arith.constant 0 : index
    %get3A_1 = arith.constant 0 : index
    %get3A_2 = vector.load %arg1[%get3A, %get3A_0, %get3A_1] : memref<1x3376x128xf32, #tpu.memory_space<vmem>>, vector<1x3248x128xf32>
    %get3A_3 = vector.shape_cast %get3A_2 : vector<1x3248x128xf32> to vector<3248x128xf32>
    %get3A_4 = arith.constant 0 : index
    %get3A_5 = arith.constant 0 : index
    %get3A_6 = arith.constant 0 : index
    %get3A_7 = vector.load %arg3[%get3A_4, %get3A_5, %get3A_6] : memref<9x128x64xf32, #tpu.memory_space<vmem>>, vector<1x128x64xf32>
    %get3A_8 = vector.shape_cast %get3A_7 : vector<1x128x64xf32> to vector<128x64xf32>
    %dot_general3A = arith.constant dense<0.000000e+00> : vector<3248x64xf32>
    %dot_general3A_9 = tpu.matmul %get3A_3, %get3A_8, %dot_general3A {dimension_numbers = #tpu.dot_dimension_numbers<[1], [0], [0], [1], [0, 0, 1, 1], [], []>, transpose_lhs_hint = false} : vector<3248x128xf32>, vector<128x64xf32>, vector<3248x64xf32> -> vector<3248x64xf32>
    %get3A_10 = arith.constant 0 : index
    %get3A_11 = arith.constant 1 : index
    %get3A_12 = arith.constant 0 : index
    %get3A_13 = vector.load %arg1[%get3A_10, %get3A_11, %get3A_12] : memref<1x3376x128xf32, #tpu.memory_space<vmem>>, vector<1x3248x128xf32>
    %get3A_14 = vector.shape_cast %get3A_13 : vector<1x3248x128xf32> to vector<3248x128xf32>
    %get3A_15 = arith.constant 1 : index
    %get3A_16 = arith.constant 0 : index
    %get3A_17 = arith.constant 0 : index
    %get3A_18 = vector.load %arg3[%get3A_15, %get3A_16, %get3A_17] : memref<9x128x64xf32, #tpu.memory_space<vmem>>, vector<1x128x64xf32>
    %get3A_19 = vector.shape_cast %get3A_18 : vector<1x128x64xf32> to vector<128x64xf32>
    %dot_general3A_20 = arith.constant dense<0.000000e+00> : vector<3248x64xf32>
    %dot_general3A_21 = tpu.matmul %get3A_14, %get3A_19, %dot_general3A_20 {dimension_numbers = #tpu.dot_dimension_numbers<[1], [0], [0], [1], [0, 0, 1, 1], [], []>, transpose_lhs_hint = false} : vector<3248x128xf32>, vector<128x64xf32>, vector<3248x64xf32> -> vector<3248x64xf32>
    %add3A = arith.addf %dot_general3A_9, %dot_general3A_21 : vector<3248x64xf32>
    %get3A_22 = arith.constant 0 : index
    %get3A_23 = arith.constant 2 : index
    %get3A_24 = arith.constant 0 : index
    %get3A_25 = vector.load %arg1[%get3A_22, %get3A_23, %get3A_24] : memref<1x3376x128xf32, #tpu.memory_space<vmem>>, vector<1x3248x128xf32>
    %get3A_26 = vector.shape_cast %get3A_25 : vector<1x3248x128xf32> to vector<3248x128xf32>
    %get3A_27 = arith.constant 2 : index
    %get3A_28 = arith.constant 0 : index
    %get3A_29 = arith.constant 0 : index
    %get3A_30 = vector.load %arg3[%get3A_27, %get3A_28, %get3A_29] : memref<9x128x64xf32, #tpu.memory_space<vmem>>, vector<1x128x64xf32>
    %get3A_31 = vector.shape_cast %get3A_30 : vector<1x128x64xf32> to vector<128x64xf32>
    %dot_general3A_32 = arith.constant dense<0.000000e+00> : vector<3248x64xf32>
    %dot_general3A_33 = tpu.matmul %get3A_26, %get3A_31, %dot_general3A_32 {dimension_numbers = #tpu.dot_dimension_numbers<[1], [0], [0], [1], [0, 0, 1, 1], [], []>, transpose_lhs_hint = false} : vector<3248x128xf32>, vector<128x64xf32>, vector<3248x64xf32> -> vector<3248x64xf32>
    %add3A_34 = arith.addf %add3A, %dot_general3A_33 : vector<3248x64xf32>
    %get3A_35 = arith.constant 0 : index
    %get3A_36 = arith.constant 58 : index
    %get3A_37 = arith.constant 0 : index
    %get3A_38 = vector.load %arg1[%get3A_35, %get3A_36, %get3A_37] : memref<1x3376x128xf32, #tpu.memory_space<vmem>>, vector<1x3248x128xf32>
    %get3A_39 = vector.shape_cast %get3A_38 : vector<1x3248x128xf32> to vector<3248x128xf32>
    %get3A_40 = arith.constant 3 : index
    %get3A_41 = arith.constant 0 : index
    %get3A_42 = arith.constant 0 : index
    %get3A_43 = vector.load %arg3[%get3A_40, %get3A_41, %get3A_42] : memref<9x128x64xf32, #tpu.memory_space<vmem>>, vector<1x128x64xf32>
    %get3A_44 = vector.shape_cast %get3A_43 : vector<1x128x64xf32> to vector<128x64xf32>
    %dot_general3A_45 = arith.constant dense<0.000000e+00> : vector<3248x64xf32>
    %dot_general3A_46 = tpu.matmul %get3A_39, %get3A_44, %dot_general3A_45 {dimension_numbers = #tpu.dot_dimension_numbers<[1], [0], [0], [1], [0, 0, 1, 1], [], []>, transpose_lhs_hint = false} : vector<3248x128xf32>, vector<128x64xf32>, vector<3248x64xf32> -> vector<3248x64xf32>
    %add3A_47 = arith.addf %add3A_34, %dot_general3A_46 : vector<3248x64xf32>
    %get3A_48 = arith.constant 0 : index
    %get3A_49 = arith.constant 59 : index
    %get3A_50 = arith.constant 0 : index
    %get3A_51 = vector.load %arg1[%get3A_48, %get3A_49, %get3A_50] : memref<1x3376x128xf32, #tpu.memory_space<vmem>>, vector<1x3248x128xf32>
    %get3A_52 = vector.shape_cast %get3A_51 : vector<1x3248x128xf32> to vector<3248x128xf32>
    %get3A_53 = arith.constant 4 : index
    %get3A_54 = arith.constant 0 : index
    %get3A_55 = arith.constant 0 : index
    %get3A_56 = vector.load %arg3[%get3A_53, %get3A_54, %get3A_55] : memref<9x128x64xf32, #tpu.memory_space<vmem>>, vector<1x128x64xf32>
    %get3A_57 = vector.shape_cast %get3A_56 : vector<1x128x64xf32> to vector<128x64xf32>
    %dot_general3A_58 = arith.constant dense<0.000000e+00> : vector<3248x64xf32>
    %dot_general3A_59 = tpu.matmul %get3A_52, %get3A_57, %dot_general3A_58 {dimension_numbers = #tpu.dot_dimension_numbers<[1], [0], [0], [1], [0, 0, 1, 1], [], []>, transpose_lhs_hint = false} : vector<3248x128xf32>, vector<128x64xf32>, vector<3248x64xf32> -> vector<3248x64xf32>
    %add3A_60 = arith.addf %add3A_47, %dot_general3A_59 : vector<3248x64xf32>
    %get3A_61 = arith.constant 0 : index
    %get3A_62 = arith.constant 60 : index
    %get3A_63 = arith.constant 0 : index
    %get3A_64 = vector.load %arg1[%get3A_61, %get3A_62, %get3A_63] : memref<1x3376x128xf32, #tpu.memory_space<vmem>>, vector<1x3248x128xf32>
    %get3A_65 = vector.shape_cast %get3A_64 : vector<1x3248x128xf32> to vector<3248x128xf32>
    %get3A_66 = arith.constant 5 : index
    %get3A_67 = arith.constant 0 : index
    %get3A_68 = arith.constant 0 : index
    %get3A_69 = vector.load %arg3[%get3A_66, %get3A_67, %get3A_68] : memref<9x128x64xf32, #tpu.memory_space<vmem>>, vector<1x128x64xf32>
    %get3A_70 = vector.shape_cast %get3A_69 : vector<1x128x64xf32> to vector<128x64xf32>
    %dot_general3A_71 = arith.constant dense<0.000000e+00> : vector<3248x64xf32>
    %dot_general3A_72 = tpu.matmul %get3A_65, %get3A_70, %dot_general3A_71 {dimension_numbers = #tpu.dot_dimension_numbers<[1], [0], [0], [1], [0, 0, 1, 1], [], []>, transpose_lhs_hint = false} : vector<3248x128xf32>, vector<128x64xf32>, vector<3248x64xf32> -> vector<3248x64xf32>
    %add3A_73 = arith.addf %add3A_60, %dot_general3A_72 : vector<3248x64xf32>
    %get3A_74 = arith.constant 0 : index
    %get3A_75 = arith.constant 116 : index
    %get3A_76 = arith.constant 0 : index
    %get3A_77 = vector.load %arg1[%get3A_74, %get3A_75, %get3A_76] : memref<1x3376x128xf32, #tpu.memory_space<vmem>>, vector<1x3248x128xf32>
    %get3A_78 = vector.shape_cast %get3A_77 : vector<1x3248x128xf32> to vector<3248x128xf32>
    %get3A_79 = arith.constant 6 : index
    %get3A_80 = arith.constant 0 : index
    %get3A_81 = arith.constant 0 : index
    %get3A_82 = vector.load %arg3[%get3A_79, %get3A_80, %get3A_81] : memref<9x128x64xf32, #tpu.memory_space<vmem>>, vector<1x128x64xf32>
    %get3A_83 = vector.shape_cast %get3A_82 : vector<1x128x64xf32> to vector<128x64xf32>
    %dot_general3A_84 = arith.constant dense<0.000000e+00> : vector<3248x64xf32>
    %dot_general3A_85 = tpu.matmul %get3A_78, %get3A_83, %dot_general3A_84 {dimension_numbers = #tpu.dot_dimension_numbers<[1], [0], [0], [1], [0, 0, 1, 1], [], []>, transpose_lhs_hint = false} : vector<3248x128xf32>, vector<128x64xf32>, vector<3248x64xf32> -> vector<3248x64xf32>
    %add3A_86 = arith.addf %add3A_73, %dot_general3A_85 : vector<3248x64xf32>
    %get3A_87 = arith.constant 0 : index
    %get3A_88 = arith.constant 117 : index
    %get3A_89 = arith.constant 0 : index
    %get3A_90 = vector.load %arg1[%get3A_87, %get3A_88, %get3A_89] : memref<1x3376x128xf32, #tpu.memory_space<vmem>>, vector<1x3248x128xf32>
    %get3A_91 = vector.shape_cast %get3A_90 : vector<1x3248x128xf32> to vector<3248x128xf32>
    %get3A_92 = arith.constant 7 : index
    %get3A_93 = arith.constant 0 : index
    %get3A_94 = arith.constant 0 : index
    %get3A_95 = vector.load %arg3[%get3A_92, %get3A_93, %get3A_94] : memref<9x128x64xf32, #tpu.memory_space<vmem>>, vector<1x128x64xf32>
    %get3A_96 = vector.shape_cast %get3A_95 : vector<1x128x64xf32> to vector<128x64xf32>
    %dot_general3A_97 = arith.constant dense<0.000000e+00> : vector<3248x64xf32>
    %dot_general3A_98 = tpu.matmul %get3A_91, %get3A_96, %dot_general3A_97 {dimension_numbers = #tpu.dot_dimension_numbers<[1], [0], [0], [1], [0, 0, 1, 1], [], []>, transpose_lhs_hint = false} : vector<3248x128xf32>, vector<128x64xf32>, vector<3248x64xf32> -> vector<3248x64xf32>
    %add3A_99 = arith.addf %add3A_86, %dot_general3A_98 : vector<3248x64xf32>
    %get3A_100 = arith.constant 0 : index
    %get3A_101 = arith.constant 118 : index
    %get3A_102 = arith.constant 0 : index
    %get3A_103 = vector.load %arg1[%get3A_100, %get3A_101, %get3A_102] : memref<1x3376x128xf32, #tpu.memory_space<vmem>>, vector<1x3248x128xf32>
    %get3A_104 = vector.shape_cast %get3A_103 : vector<1x3248x128xf32> to vector<3248x128xf32>
    %get3A_105 = arith.constant 8 : index
    %get3A_106 = arith.constant 0 : index
    %get3A_107 = arith.constant 0 : index
    %get3A_108 = vector.load %arg3[%get3A_105, %get3A_106, %get3A_107] : memref<9x128x64xf32, #tpu.memory_space<vmem>>, vector<1x128x64xf32>
    %get3A_109 = vector.shape_cast %get3A_108 : vector<1x128x64xf32> to vector<128x64xf32>
    %dot_general3A_110 = arith.constant dense<0.000000e+00> : vector<3248x64xf32>
    %dot_general3A_111 = tpu.matmul %get3A_104, %get3A_109, %dot_general3A_110 {dimension_numbers = #tpu.dot_dimension_numbers<[1], [0], [0], [1], [0, 0, 1, 1], [], []>, transpose_lhs_hint = false} : vector<3248x128xf32>, vector<128x64xf32>, vector<3248x64xf32> -> vector<3248x64xf32>
    %add3A_112 = arith.addf %add3A_99, %dot_general3A_111 : vector<3248x64xf32>
    %get3A_113 = arith.constant 0 : index
    %get3A_114 = arith.constant 0 : index
    %get3A_115 = vector.load %arg4[%get3A_113, %get3A_114] : memref<1x64xf32, #tpu.memory_space<vmem>>, vector<1x64xf32>
    %add3A_116 = vector.broadcast %get3A_115 : vector<1x64xf32> to vector<3248x64xf32>
    %add3A_117 = arith.addf %add3A_112, %add3A_116 : vector<3248x64xf32>
    %swap3A = arith.constant 0 : index
    %swap3A_118 = arith.constant 0 : index
    %swap3A_119 = arith.constant 0 : index
    %swap3A_120 = vector.load %arg5[%swap3A, %swap3A_118, %swap3A_119] : memref<1x3248x64xf32, #tpu.memory_space<vmem>>, vector<1x3248x64xf32>
    %swap3A_121 = vector.shape_cast %swap3A_120 : vector<1x3248x64xf32> to vector<3248x64xf32>
    %swap3A_122 = vector.shape_cast %add3A_117 : vector<3248x64xf32> to vector<1x3248x64xf32>
    tpu.vector_store %arg5[%swap3A, %swap3A_118, %swap3A_119], %swap3A_122 {strides = array<i32>} : memref<1x3248x64xf32, #tpu.memory_space<vmem>>, vector<1x3248x64xf32>,
    %get3A_123 = arith.constant 0 : index
    %get3A_124 = arith.constant 59 : index
    %get3A_125 = arith.constant 0 : index
    %get3A_126 = vector.load %arg1[%get3A_123, %get3A_124, %get3A_125] : memref<1x3376x128xf32, #tpu.memory_space<vmem>>, vector<1x3248x64xf32>
    %get3A_127 = vector.shape_cast %get3A_126 : vector<1x3248x64xf32> to vector<3248x64xf32>
    %get3A_128 = arith.constant 0 : index
    %get3A_129 = arith.constant 0 : index
    %get3A_130 = arith.constant 0 : index
    %get3A_131 = vector.load %arg2[%get3A_128, %get3A_129, %get3A_130] : memref<1x3248x64xf32, #tpu.memory_space<vmem>>, vector<1x3248x64xf32>
    %get3A_132 = vector.shape_cast %get3A_131 : vector<1x3248x64xf32> to vector<3248x64xf32>
    %sub3A = arith.subf %get3A_127, %get3A_132 : vector<3248x64xf32>
    %mul3A = arith.mulf %sub3A, %sub3A : vector<3248x64xf32>
    %reduce_sum3A = vector.shape_cast %mul3A : vector<3248x64xf32> to vector<1x3248x64xf32>
    %reduce_sum3A_133 = arith.constant dense<0.000000e+00> : vector<1xf32>
    %reduce_sum3A_134 = vector.multi_reduction <add>, %reduce_sum3A, %reduce_sum3A_133 [1, 2] : vector<1x3248x64xf32> to vector<1xf32>
    %reduce_sum3A_135 = vector.shape_cast %reduce_sum3A_134 : vector<1xf32> to vector<1x1x1xf32>
    %reduce_sum3A_136 = vector.extract %reduce_sum3A_135[0, 0, 0] : f32 from vector<1x1x1xf32>
    %eq3A = arith.constant 0 : i32
    %eq3A_137 = arith.cmpi eq, %arg0, %eq3A : i32
    %convert_element_type3A = arith.extui %eq3A_137 : i1 to i32
    %cond3A = arith.constant 0 : i32
    %cond3A_138 = arith.cmpi ne, %convert_element_type3A, %cond3A : i32
    scf.if %cond3A_138 {
      %broadcast_in_dim3A_146 = arith.constant 0.000000e+00 : f32
      %broadcast_in_dim3A_147 = vector.broadcast %broadcast_in_dim3A_146 : f32 to vector<8x128xf32>
      %swap3A_148 = arith.constant 0 : index
      %swap3A_149 = arith.constant 0 : index
      %swap3A_150 = vector.load %arg6[%swap3A_148, %swap3A_149] : memref<8x128xf32, #tpu.memory_space<vmem>>, vector<8x128xf32>
      tpu.vector_store %arg6[%swap3A_148, %swap3A_149], %broadcast_in_dim3A_147 {strides = array<i32>} : memref<8x128xf32, #tpu.memory_space<vmem>>, vector<8x128xf32>,
    } else {
    }
    %get3A_139 = arith.constant 0 : index
    %get3A_140 = arith.constant 0 : index
    %get3A_141 = vector.load %arg6[%get3A_139, %get3A_140] : memref<8x128xf32, #tpu.memory_space<vmem>>, vector<8x128xf32>
    %broadcast_in_dim3A = vector.broadcast %reduce_sum3A_136 : f32 to vector<8x128xf32>
    %add3A_142 = arith.addf %get3A_141, %broadcast_in_dim3A : vector<8x128xf32>
    %swap3A_143 = arith.constant 0 : index
    %swap3A_144 = arith.constant 0 : index
    %swap3A_145 = vector.load %arg6[%swap3A_143, %swap3A_144] : memref<8x128xf32, #tpu.memory_space<vmem>>, vector<8x128xf32>
    tpu.vector_store %arg6[%swap3A_143, %swap3A_144], %add3A_142 {strides = array<i32>} : memref<8x128xf32, #tpu.memory_space<vmem>>, vector<8x128xf32>,
    return
  }
  func.func @transform_0(%arg0: i32) -> (i32, i32, i32) {
    %c0_i32 = arith.constant 0 : i32
    %c0_i32_0 = arith.constant 0 : i32
    %c0_i32_1 = arith.constant 0 : i32
    return %arg0, %c0_i32, %c0_i32_0 : i32, i32, i32
  }
  func.func @transform_1(%arg0: i32) -> (i32, i32, i32) {
    %c0_i32 = arith.constant 0 : i32
    %c0_i32_0 = arith.constant 0 : i32
    %c0_i32_1 = arith.constant 0 : i32
    return %arg0, %c0_i32, %c0_i32_0 : i32, i32, i32
  }
  func.func @transform_2(%arg0: i32) -> (i32, i32, i32) {
    %c0_i32 = arith.constant 0 : i32
    %c0_i32_0 = arith.constant 0 : i32
    %c0_i32_1 = arith.constant 0 : i32
    %c0_i32_2 = arith.constant 0 : i32
    return %c0_i32, %c0_i32_0, %c0_i32_1 : i32, i32, i32
  }
  func.func @transform_3(%arg0: i32) -> (i32, i32) {
    %c0_i32 = arith.constant 0 : i32
    %c0_i32_0 = arith.constant 0 : i32
    %c0_i32_1 = arith.constant 0 : i32
    return %c0_i32, %c0_i32_0 : i32, i32
  }
  func.func @transform_4(%arg0: i32) -> (i32, i32, i32) {
    %c0_i32 = arith.constant 0 : i32
    %c0_i32_0 = arith.constant 0 : i32
    %c0_i32_1 = arith.constant 0 : i32
    return %arg0, %c0_i32, %c0_i32_0 : i32, i32, i32
  }
  func.func @transform_5(%arg0: i32) -> (i32, i32) {
    %c0_i32 = arith.constant 0 : i32
    %c0_i32_0 = arith.constant 0 : i32
    %c0_i32_1 = arith.constant 0 : i32
    return %c0_i32, %c0_i32_0 : i32, i32
  }
}

module attributes {stable_mosaic.version = 14 : i64} {
  func.func @body(%arg0: i32, %arg1: memref<1x3376x64xf32, #tpu.memory_space<vmem>>, %arg2: memref<576x32xbf16, #tpu.memory_space<vmem>>, %arg3: memref<1x32x64xf32, #tpu.memory_space<vmem>>, %arg4: memref<1x3248x64xf32, #tpu.memory_space<vmem>>) attributes {dimension_semantics = [#tpu.dimension_semantics<arbitrary>], iteration_bounds = array<i64: 8>, scalar_prefetch = 0 : i64, scratch_operands = 0 : i64, tpu.core_type = #tpu.core_type<tc>, window_params = [{transform_indices = @transform_0, window_bounds = array<i64: 1, 3376, 64>}, {pipeline_mode = #tpu.pipeline_mode<synchronous>, transform_indices = @transform_1, window_bounds = array<i64: 576, 32>}, {pipeline_mode = #tpu.pipeline_mode<synchronous>, transform_indices = @transform_2, window_bounds = array<i64: 1, 32, 64>}, {transform_indices = @transform_3, window_bounds = array<i64: 1, 3248, 64>}]} {
    %get3A = arith.constant 0 : index
    %get3A_0 = arith.constant 0 : index
    %get3A_1 = arith.constant 0 : index
    %get3A_2 = vector.load %arg1[%get3A, %get3A_0, %get3A_1] : memref<1x3376x64xf32, #tpu.memory_space<vmem>>, vector<1x3248x64xf32>
    %get3A_3 = vector.shape_cast %get3A_2 : vector<1x3248x64xf32> to vector<3248x64xf32>
    %max3A = arith.constant 0.000000e+00 : f32
    %max3A_4 = vector.broadcast %max3A : f32 to vector<3248x64xf32>
    %max3A_5 = arith.maximumf %get3A_3, %max3A_4 : vector<3248x64xf32>
    %get3A_6 = arith.constant 0 : index
    %get3A_7 = arith.constant 1 : index
    %get3A_8 = arith.constant 0 : index
    %get3A_9 = vector.load %arg1[%get3A_6, %get3A_7, %get3A_8] : memref<1x3376x64xf32, #tpu.memory_space<vmem>>, vector<1x3248x64xf32>
    %get3A_10 = vector.shape_cast %get3A_9 : vector<1x3248x64xf32> to vector<3248x64xf32>
    %max3A_11 = arith.constant 0.000000e+00 : f32
    %max3A_12 = vector.broadcast %max3A_11 : f32 to vector<3248x64xf32>
    %max3A_13 = arith.maximumf %get3A_10, %max3A_12 : vector<3248x64xf32>
    %get3A_14 = arith.constant 0 : index
    %get3A_15 = arith.constant 2 : index
    %get3A_16 = arith.constant 0 : index
    %get3A_17 = vector.load %arg1[%get3A_14, %get3A_15, %get3A_16] : memref<1x3376x64xf32, #tpu.memory_space<vmem>>, vector<1x3248x64xf32>
    %get3A_18 = vector.shape_cast %get3A_17 : vector<1x3248x64xf32> to vector<3248x64xf32>
    %max3A_19 = arith.constant 0.000000e+00 : f32
    %max3A_20 = vector.broadcast %max3A_19 : f32 to vector<3248x64xf32>
    %max3A_21 = arith.maximumf %get3A_18, %max3A_20 : vector<3248x64xf32>
    %get3A_22 = arith.constant 0 : index
    %get3A_23 = arith.constant 58 : index
    %get3A_24 = arith.constant 0 : index
    %get3A_25 = vector.load %arg1[%get3A_22, %get3A_23, %get3A_24] : memref<1x3376x64xf32, #tpu.memory_space<vmem>>, vector<1x3248x64xf32>
    %get3A_26 = vector.shape_cast %get3A_25 : vector<1x3248x64xf32> to vector<3248x64xf32>
    %max3A_27 = arith.constant 0.000000e+00 : f32
    %max3A_28 = vector.broadcast %max3A_27 : f32 to vector<3248x64xf32>
    %max3A_29 = arith.maximumf %get3A_26, %max3A_28 : vector<3248x64xf32>
    %get3A_30 = arith.constant 0 : index
    %get3A_31 = arith.constant 59 : index
    %get3A_32 = arith.constant 0 : index
    %get3A_33 = vector.load %arg1[%get3A_30, %get3A_31, %get3A_32] : memref<1x3376x64xf32, #tpu.memory_space<vmem>>, vector<1x3248x64xf32>
    %get3A_34 = vector.shape_cast %get3A_33 : vector<1x3248x64xf32> to vector<3248x64xf32>
    %max3A_35 = arith.constant 0.000000e+00 : f32
    %max3A_36 = vector.broadcast %max3A_35 : f32 to vector<3248x64xf32>
    %max3A_37 = arith.maximumf %get3A_34, %max3A_36 : vector<3248x64xf32>
    %get3A_38 = arith.constant 0 : index
    %get3A_39 = arith.constant 60 : index
    %get3A_40 = arith.constant 0 : index
    %get3A_41 = vector.load %arg1[%get3A_38, %get3A_39, %get3A_40] : memref<1x3376x64xf32, #tpu.memory_space<vmem>>, vector<1x3248x64xf32>
    %get3A_42 = vector.shape_cast %get3A_41 : vector<1x3248x64xf32> to vector<3248x64xf32>
    %max3A_43 = arith.constant 0.000000e+00 : f32
    %max3A_44 = vector.broadcast %max3A_43 : f32 to vector<3248x64xf32>
    %max3A_45 = arith.maximumf %get3A_42, %max3A_44 : vector<3248x64xf32>
    %get3A_46 = arith.constant 0 : index
    %get3A_47 = arith.constant 116 : index
    %get3A_48 = arith.constant 0 : index
    %get3A_49 = vector.load %arg1[%get3A_46, %get3A_47, %get3A_48] : memref<1x3376x64xf32, #tpu.memory_space<vmem>>, vector<1x3248x64xf32>
    %get3A_50 = vector.shape_cast %get3A_49 : vector<1x3248x64xf32> to vector<3248x64xf32>
    %max3A_51 = arith.constant 0.000000e+00 : f32
    %max3A_52 = vector.broadcast %max3A_51 : f32 to vector<3248x64xf32>
    %max3A_53 = arith.maximumf %get3A_50, %max3A_52 : vector<3248x64xf32>
    %get3A_54 = arith.constant 0 : index
    %get3A_55 = arith.constant 117 : index
    %get3A_56 = arith.constant 0 : index
    %get3A_57 = vector.load %arg1[%get3A_54, %get3A_55, %get3A_56] : memref<1x3376x64xf32, #tpu.memory_space<vmem>>, vector<1x3248x64xf32>
    %get3A_58 = vector.shape_cast %get3A_57 : vector<1x3248x64xf32> to vector<3248x64xf32>
    %max3A_59 = arith.constant 0.000000e+00 : f32
    %max3A_60 = vector.broadcast %max3A_59 : f32 to vector<3248x64xf32>
    %max3A_61 = arith.maximumf %get3A_58, %max3A_60 : vector<3248x64xf32>
    %get3A_62 = arith.constant 0 : index
    %get3A_63 = arith.constant 118 : index
    %get3A_64 = arith.constant 0 : index
    %get3A_65 = vector.load %arg1[%get3A_62, %get3A_63, %get3A_64] : memref<1x3376x64xf32, #tpu.memory_space<vmem>>, vector<1x3248x64xf32>
    %get3A_66 = vector.shape_cast %get3A_65 : vector<1x3248x64xf32> to vector<3248x64xf32>
    %max3A_67 = arith.constant 0.000000e+00 : f32
    %max3A_68 = vector.broadcast %max3A_67 : f32 to vector<3248x64xf32>
    %max3A_69 = arith.maximumf %get3A_66, %max3A_68 : vector<3248x64xf32>
    %concatenate3A = tpu.concatenate %max3A_5, %max3A_13, %max3A_21, %max3A_29, %max3A_37, %max3A_45, %max3A_53, %max3A_61, %max3A_69 in 1 : vector<3248x64xf32>, vector<3248x64xf32>, vector<3248x64xf32>, vector<3248x64xf32>, vector<3248x64xf32>, vector<3248x64xf32>, vector<3248x64xf32>, vector<3248x64xf32>, vector<3248x64xf32> -> vector<3248x576xf32>
    %get3A_70 = arith.constant 0 : index
    %get3A_71 = arith.constant 0 : index
    %get3A_72 = vector.load %arg2[%get3A_70, %get3A_71] : memref<576x32xbf16, #tpu.memory_space<vmem>>, vector<576x32xbf16>
    %dot_general3A = arith.constant dense<0.000000e+00> : vector<3248x32xf32>
    %dot_general3A_73 = tpu.matmul %concatenate3A, %get3A_72, %dot_general3A {dimension_numbers = #tpu.dot_dimension_numbers<[1], [0], [0], [1], [0, 0, 1, 1], [], []>, transpose_lhs_hint = false} : vector<3248x576xf32>, vector<576x32xbf16>, vector<3248x32xf32> -> vector<3248x32xf32>
    %convert_element_type3A = arith.truncf %dot_general3A_73 : vector<3248x32xf32> to vector<3248x32xbf16>
    %max3A_74 = arith.constant 0.000000e+00 : bf16
    %max3A_75 = vector.broadcast %max3A_74 : bf16 to vector<3248x32xbf16>
    %max3A_76 = arith.maximumf %convert_element_type3A, %max3A_75 : vector<3248x32xbf16>
    %get3A_77 = arith.constant 0 : index
    %get3A_78 = arith.constant 0 : index
    %get3A_79 = arith.constant 0 : index
    %get3A_80 = vector.load %arg3[%get3A_77, %get3A_78, %get3A_79] : memref<1x32x64xf32, #tpu.memory_space<vmem>>, vector<1x32x64xf32>
    %get3A_81 = vector.shape_cast %get3A_80 : vector<1x32x64xf32> to vector<32x64xf32>
    %dot_general3A_82 = arith.constant dense<0.000000e+00> : vector<3248x64xf32>
    %dot_general3A_83 = tpu.matmul %max3A_76, %get3A_81, %dot_general3A_82 {dimension_numbers = #tpu.dot_dimension_numbers<[1], [0], [0], [1], [0, 0, 1, 1], [], []>, transpose_lhs_hint = false} : vector<3248x32xbf16>, vector<32x64xf32>, vector<3248x64xf32> -> vector<3248x64xf32>
    %get3A_84 = arith.constant 0 : index
    %get3A_85 = arith.constant 59 : index
    %get3A_86 = arith.constant 0 : index
    %get3A_87 = vector.load %arg1[%get3A_84, %get3A_85, %get3A_86] : memref<1x3376x64xf32, #tpu.memory_space<vmem>>, vector<1x3248x64xf32>
    %get3A_88 = vector.shape_cast %get3A_87 : vector<1x3248x64xf32> to vector<3248x64xf32>
    %add3A = arith.addf %get3A_88, %dot_general3A_83 : vector<3248x64xf32>
    %swap3A = arith.constant 0 : index
    %swap3A_89 = arith.constant 0 : index
    %swap3A_90 = arith.constant 0 : index
    %swap3A_91 = vector.load %arg4[%swap3A, %swap3A_89, %swap3A_90] : memref<1x3248x64xf32, #tpu.memory_space<vmem>>, vector<1x3248x64xf32>
    %swap3A_92 = vector.shape_cast %swap3A_91 : vector<1x3248x64xf32> to vector<3248x64xf32>
    %swap3A_93 = vector.shape_cast %add3A : vector<3248x64xf32> to vector<1x3248x64xf32>
    tpu.vector_store %arg4[%swap3A, %swap3A_89, %swap3A_90], %swap3A_93 {strides = array<i32>} : memref<1x3248x64xf32, #tpu.memory_space<vmem>>, vector<1x3248x64xf32>,
    return
  }
  func.func @transform_0(%arg0: i32) -> (i32, i32, i32) {
    %c0_i32 = arith.constant 0 : i32
    %c0_i32_0 = arith.constant 0 : i32
    %c0_i32_1 = arith.constant 0 : i32
    return %arg0, %c0_i32, %c0_i32_0 : i32, i32, i32
  }
  func.func @transform_1(%arg0: i32) -> (i32, i32) {
    %c0_i32 = arith.constant 0 : i32
    %c0_i32_0 = arith.constant 0 : i32
    %c0_i32_1 = arith.constant 0 : i32
    return %c0_i32, %c0_i32_0 : i32, i32
  }
  func.func @transform_2(%arg0: i32) -> (i32, i32, i32) {
    %c0_i32 = arith.constant 0 : i32
    %c0_i32_0 = arith.constant 0 : i32
    %c0_i32_1 = arith.constant 0 : i32
    %c0_i32_2 = arith.constant 0 : i32
    return %c0_i32, %c0_i32_0, %c0_i32_1 : i32, i32, i32
  }
  func.func @transform_3(%arg0: i32) -> (i32, i32, i32) {
    %c0_i32 = arith.constant 0 : i32
    %c0_i32_0 = arith.constant 0 : i32
    %c0_i32_1 = arith.constant 0 : i32
    return %arg0, %c0_i32, %c0_i32_0 : i32, i32, i32
  }
}

module attributes {stable_mosaic.version = 14 : i64} {
  func.func @body(%arg0: i32, %arg1: i32, %arg2: memref<1x3376x64xf32, #tpu.memory_space<vmem>>, %arg3: memref<9x64x128xbf16, #tpu.memory_space<vmem>>, %arg4: memref<1x128xf32, #tpu.memory_space<vmem>>, %arg5: memref<1x3248x128xf32, #tpu.memory_space<vmem>>) attributes {dimension_semantics = [#tpu.dimension_semantics<arbitrary>, #tpu.dimension_semantics<arbitrary>], iteration_bounds = array<i64: 8, 1>, scalar_prefetch = 0 : i64, scratch_operands = 0 : i64, tpu.core_type = #tpu.core_type<tc>, window_params = [{transform_indices = @transform_0, window_bounds = array<i64: 1, 3376, 64>}, {pipeline_mode = #tpu.pipeline_mode<synchronous>, transform_indices = @transform_1, window_bounds = array<i64: 9, 64, 128>}, {pipeline_mode = #tpu.pipeline_mode<synchronous>, transform_indices = @transform_2, window_bounds = array<i64: 1, 128>}, {transform_indices = @transform_3, window_bounds = array<i64: 1, 3248, 128>}]} {
    %get3A = arith.constant 0 : index
    %get3A_0 = arith.constant 0 : index
    %get3A_1 = arith.constant 0 : index
    %get3A_2 = vector.load %arg2[%get3A, %get3A_0, %get3A_1] : memref<1x3376x64xf32, #tpu.memory_space<vmem>>, vector<1x3248x64xf32>
    %get3A_3 = vector.shape_cast %get3A_2 : vector<1x3248x64xf32> to vector<3248x64xf32>
    %max3A = arith.constant 0.000000e+00 : f32
    %max3A_4 = vector.broadcast %max3A : f32 to vector<3248x64xf32>
    %max3A_5 = arith.maximumf %get3A_3, %max3A_4 : vector<3248x64xf32>
    %get3A_6 = arith.constant 0 : index
    %get3A_7 = arith.constant 0 : index
    %get3A_8 = arith.constant 0 : index
    %get3A_9 = vector.load %arg3[%get3A_6, %get3A_7, %get3A_8] : memref<9x64x128xbf16, #tpu.memory_space<vmem>>, vector<1x64x128xbf16>
    %get3A_10 = vector.shape_cast %get3A_9 : vector<1x64x128xbf16> to vector<64x128xbf16>
    %dot_general3A = arith.constant dense<0.000000e+00> : vector<3248x128xf32>
    %dot_general3A_11 = tpu.matmul %max3A_5, %get3A_10, %dot_general3A {dimension_numbers = #tpu.dot_dimension_numbers<[1], [0], [0], [1], [0, 0, 1, 1], [], []>, transpose_lhs_hint = false} : vector<3248x64xf32>, vector<64x128xbf16>, vector<3248x128xf32> -> vector<3248x128xf32>
    %get3A_12 = arith.constant 0 : index
    %get3A_13 = arith.constant 1 : index
    %get3A_14 = arith.constant 0 : index
    %get3A_15 = vector.load %arg2[%get3A_12, %get3A_13, %get3A_14] : memref<1x3376x64xf32, #tpu.memory_space<vmem>>, vector<1x3248x64xf32>
    %get3A_16 = vector.shape_cast %get3A_15 : vector<1x3248x64xf32> to vector<3248x64xf32>
    %max3A_17 = arith.constant 0.000000e+00 : f32
    %max3A_18 = vector.broadcast %max3A_17 : f32 to vector<3248x64xf32>
    %max3A_19 = arith.maximumf %get3A_16, %max3A_18 : vector<3248x64xf32>
    %get3A_20 = arith.constant 1 : index
    %get3A_21 = arith.constant 0 : index
    %get3A_22 = arith.constant 0 : index
    %get3A_23 = vector.load %arg3[%get3A_20, %get3A_21, %get3A_22] : memref<9x64x128xbf16, #tpu.memory_space<vmem>>, vector<1x64x128xbf16>
    %get3A_24 = vector.shape_cast %get3A_23 : vector<1x64x128xbf16> to vector<64x128xbf16>
    %dot_general3A_25 = arith.constant dense<0.000000e+00> : vector<3248x128xf32>
    %dot_general3A_26 = tpu.matmul %max3A_19, %get3A_24, %dot_general3A_25 {dimension_numbers = #tpu.dot_dimension_numbers<[1], [0], [0], [1], [0, 0, 1, 1], [], []>, transpose_lhs_hint = false} : vector<3248x64xf32>, vector<64x128xbf16>, vector<3248x128xf32> -> vector<3248x128xf32>
    %add3A = arith.addf %dot_general3A_11, %dot_general3A_26 : vector<3248x128xf32>
    %get3A_27 = arith.constant 0 : index
    %get3A_28 = arith.constant 2 : index
    %get3A_29 = arith.constant 0 : index
    %get3A_30 = vector.load %arg2[%get3A_27, %get3A_28, %get3A_29] : memref<1x3376x64xf32, #tpu.memory_space<vmem>>, vector<1x3248x64xf32>
    %get3A_31 = vector.shape_cast %get3A_30 : vector<1x3248x64xf32> to vector<3248x64xf32>
    %max3A_32 = arith.constant 0.000000e+00 : f32
    %max3A_33 = vector.broadcast %max3A_32 : f32 to vector<3248x64xf32>
    %max3A_34 = arith.maximumf %get3A_31, %max3A_33 : vector<3248x64xf32>
    %get3A_35 = arith.constant 2 : index
    %get3A_36 = arith.constant 0 : index
    %get3A_37 = arith.constant 0 : index
    %get3A_38 = vector.load %arg3[%get3A_35, %get3A_36, %get3A_37] : memref<9x64x128xbf16, #tpu.memory_space<vmem>>, vector<1x64x128xbf16>
    %get3A_39 = vector.shape_cast %get3A_38 : vector<1x64x128xbf16> to vector<64x128xbf16>
    %dot_general3A_40 = arith.constant dense<0.000000e+00> : vector<3248x128xf32>
    %dot_general3A_41 = tpu.matmul %max3A_34, %get3A_39, %dot_general3A_40 {dimension_numbers = #tpu.dot_dimension_numbers<[1], [0], [0], [1], [0, 0, 1, 1], [], []>, transpose_lhs_hint = false} : vector<3248x64xf32>, vector<64x128xbf16>, vector<3248x128xf32> -> vector<3248x128xf32>
    %add3A_42 = arith.addf %add3A, %dot_general3A_41 : vector<3248x128xf32>
    %get3A_43 = arith.constant 0 : index
    %get3A_44 = arith.constant 58 : index
    %get3A_45 = arith.constant 0 : index
    %get3A_46 = vector.load %arg2[%get3A_43, %get3A_44, %get3A_45] : memref<1x3376x64xf32, #tpu.memory_space<vmem>>, vector<1x3248x64xf32>
    %get3A_47 = vector.shape_cast %get3A_46 : vector<1x3248x64xf32> to vector<3248x64xf32>
    %max3A_48 = arith.constant 0.000000e+00 : f32
    %max3A_49 = vector.broadcast %max3A_48 : f32 to vector<3248x64xf32>
    %max3A_50 = arith.maximumf %get3A_47, %max3A_49 : vector<3248x64xf32>
    %get3A_51 = arith.constant 3 : index
    %get3A_52 = arith.constant 0 : index
    %get3A_53 = arith.constant 0 : index
    %get3A_54 = vector.load %arg3[%get3A_51, %get3A_52, %get3A_53] : memref<9x64x128xbf16, #tpu.memory_space<vmem>>, vector<1x64x128xbf16>
    %get3A_55 = vector.shape_cast %get3A_54 : vector<1x64x128xbf16> to vector<64x128xbf16>
    %dot_general3A_56 = arith.constant dense<0.000000e+00> : vector<3248x128xf32>
    %dot_general3A_57 = tpu.matmul %max3A_50, %get3A_55, %dot_general3A_56 {dimension_numbers = #tpu.dot_dimension_numbers<[1], [0], [0], [1], [0, 0, 1, 1], [], []>, transpose_lhs_hint = false} : vector<3248x64xf32>, vector<64x128xbf16>, vector<3248x128xf32> -> vector<3248x128xf32>
    %add3A_58 = arith.addf %add3A_42, %dot_general3A_57 : vector<3248x128xf32>
    %get3A_59 = arith.constant 0 : index
    %get3A_60 = arith.constant 59 : index
    %get3A_61 = arith.constant 0 : index
    %get3A_62 = vector.load %arg2[%get3A_59, %get3A_60, %get3A_61] : memref<1x3376x64xf32, #tpu.memory_space<vmem>>, vector<1x3248x64xf32>
    %get3A_63 = vector.shape_cast %get3A_62 : vector<1x3248x64xf32> to vector<3248x64xf32>
    %max3A_64 = arith.constant 0.000000e+00 : f32
    %max3A_65 = vector.broadcast %max3A_64 : f32 to vector<3248x64xf32>
    %max3A_66 = arith.maximumf %get3A_63, %max3A_65 : vector<3248x64xf32>
    %get3A_67 = arith.constant 4 : index
    %get3A_68 = arith.constant 0 : index
    %get3A_69 = arith.constant 0 : index
    %get3A_70 = vector.load %arg3[%get3A_67, %get3A_68, %get3A_69] : memref<9x64x128xbf16, #tpu.memory_space<vmem>>, vector<1x64x128xbf16>
    %get3A_71 = vector.shape_cast %get3A_70 : vector<1x64x128xbf16> to vector<64x128xbf16>
    %dot_general3A_72 = arith.constant dense<0.000000e+00> : vector<3248x128xf32>
    %dot_general3A_73 = tpu.matmul %max3A_66, %get3A_71, %dot_general3A_72 {dimension_numbers = #tpu.dot_dimension_numbers<[1], [0], [0], [1], [0, 0, 1, 1], [], []>, transpose_lhs_hint = false} : vector<3248x64xf32>, vector<64x128xbf16>, vector<3248x128xf32> -> vector<3248x128xf32>
    %add3A_74 = arith.addf %add3A_58, %dot_general3A_73 : vector<3248x128xf32>
    %get3A_75 = arith.constant 0 : index
    %get3A_76 = arith.constant 60 : index
    %get3A_77 = arith.constant 0 : index
    %get3A_78 = vector.load %arg2[%get3A_75, %get3A_76, %get3A_77] : memref<1x3376x64xf32, #tpu.memory_space<vmem>>, vector<1x3248x64xf32>
    %get3A_79 = vector.shape_cast %get3A_78 : vector<1x3248x64xf32> to vector<3248x64xf32>
    %max3A_80 = arith.constant 0.000000e+00 : f32
    %max3A_81 = vector.broadcast %max3A_80 : f32 to vector<3248x64xf32>
    %max3A_82 = arith.maximumf %get3A_79, %max3A_81 : vector<3248x64xf32>
    %get3A_83 = arith.constant 5 : index
    %get3A_84 = arith.constant 0 : index
    %get3A_85 = arith.constant 0 : index
    %get3A_86 = vector.load %arg3[%get3A_83, %get3A_84, %get3A_85] : memref<9x64x128xbf16, #tpu.memory_space<vmem>>, vector<1x64x128xbf16>
    %get3A_87 = vector.shape_cast %get3A_86 : vector<1x64x128xbf16> to vector<64x128xbf16>
    %dot_general3A_88 = arith.constant dense<0.000000e+00> : vector<3248x128xf32>
    %dot_general3A_89 = tpu.matmul %max3A_82, %get3A_87, %dot_general3A_88 {dimension_numbers = #tpu.dot_dimension_numbers<[1], [0], [0], [1], [0, 0, 1, 1], [], []>, transpose_lhs_hint = false} : vector<3248x64xf32>, vector<64x128xbf16>, vector<3248x128xf32> -> vector<3248x128xf32>
    %add3A_90 = arith.addf %add3A_74, %dot_general3A_89 : vector<3248x128xf32>
    %get3A_91 = arith.constant 0 : index
    %get3A_92 = arith.constant 116 : index
    %get3A_93 = arith.constant 0 : index
    %get3A_94 = vector.load %arg2[%get3A_91, %get3A_92, %get3A_93] : memref<1x3376x64xf32, #tpu.memory_space<vmem>>, vector<1x3248x64xf32>
    %get3A_95 = vector.shape_cast %get3A_94 : vector<1x3248x64xf32> to vector<3248x64xf32>
    %max3A_96 = arith.constant 0.000000e+00 : f32
    %max3A_97 = vector.broadcast %max3A_96 : f32 to vector<3248x64xf32>
    %max3A_98 = arith.maximumf %get3A_95, %max3A_97 : vector<3248x64xf32>
    %get3A_99 = arith.constant 6 : index
    %get3A_100 = arith.constant 0 : index
    %get3A_101 = arith.constant 0 : index
    %get3A_102 = vector.load %arg3[%get3A_99, %get3A_100, %get3A_101] : memref<9x64x128xbf16, #tpu.memory_space<vmem>>, vector<1x64x128xbf16>
    %get3A_103 = vector.shape_cast %get3A_102 : vector<1x64x128xbf16> to vector<64x128xbf16>
    %dot_general3A_104 = arith.constant dense<0.000000e+00> : vector<3248x128xf32>
    %dot_general3A_105 = tpu.matmul %max3A_98, %get3A_103, %dot_general3A_104 {dimension_numbers = #tpu.dot_dimension_numbers<[1], [0], [0], [1], [0, 0, 1, 1], [], []>, transpose_lhs_hint = false} : vector<3248x64xf32>, vector<64x128xbf16>, vector<3248x128xf32> -> vector<3248x128xf32>
    %add3A_106 = arith.addf %add3A_90, %dot_general3A_105 : vector<3248x128xf32>
    %get3A_107 = arith.constant 0 : index
    %get3A_108 = arith.constant 117 : index
    %get3A_109 = arith.constant 0 : index
    %get3A_110 = vector.load %arg2[%get3A_107, %get3A_108, %get3A_109] : memref<1x3376x64xf32, #tpu.memory_space<vmem>>, vector<1x3248x64xf32>
    %get3A_111 = vector.shape_cast %get3A_110 : vector<1x3248x64xf32> to vector<3248x64xf32>
    %max3A_112 = arith.constant 0.000000e+00 : f32
    %max3A_113 = vector.broadcast %max3A_112 : f32 to vector<3248x64xf32>
    %max3A_114 = arith.maximumf %get3A_111, %max3A_113 : vector<3248x64xf32>
    %get3A_115 = arith.constant 7 : index
    %get3A_116 = arith.constant 0 : index
    %get3A_117 = arith.constant 0 : index
    %get3A_118 = vector.load %arg3[%get3A_115, %get3A_116, %get3A_117] : memref<9x64x128xbf16, #tpu.memory_space<vmem>>, vector<1x64x128xbf16>
    %get3A_119 = vector.shape_cast %get3A_118 : vector<1x64x128xbf16> to vector<64x128xbf16>
    %dot_general3A_120 = arith.constant dense<0.000000e+00> : vector<3248x128xf32>
    %dot_general3A_121 = tpu.matmul %max3A_114, %get3A_119, %dot_general3A_120 {dimension_numbers = #tpu.dot_dimension_numbers<[1], [0], [0], [1], [0, 0, 1, 1], [], []>, transpose_lhs_hint = false} : vector<3248x64xf32>, vector<64x128xbf16>, vector<3248x128xf32> -> vector<3248x128xf32>
    %add3A_122 = arith.addf %add3A_106, %dot_general3A_121 : vector<3248x128xf32>
    %get3A_123 = arith.constant 0 : index
    %get3A_124 = arith.constant 118 : index
    %get3A_125 = arith.constant 0 : index
    %get3A_126 = vector.load %arg2[%get3A_123, %get3A_124, %get3A_125] : memref<1x3376x64xf32, #tpu.memory_space<vmem>>, vector<1x3248x64xf32>
    %get3A_127 = vector.shape_cast %get3A_126 : vector<1x3248x64xf32> to vector<3248x64xf32>
    %max3A_128 = arith.constant 0.000000e+00 : f32
    %max3A_129 = vector.broadcast %max3A_128 : f32 to vector<3248x64xf32>
    %max3A_130 = arith.maximumf %get3A_127, %max3A_129 : vector<3248x64xf32>
    %get3A_131 = arith.constant 8 : index
    %get3A_132 = arith.constant 0 : index
    %get3A_133 = arith.constant 0 : index
    %get3A_134 = vector.load %arg3[%get3A_131, %get3A_132, %get3A_133] : memref<9x64x128xbf16, #tpu.memory_space<vmem>>, vector<1x64x128xbf16>
    %get3A_135 = vector.shape_cast %get3A_134 : vector<1x64x128xbf16> to vector<64x128xbf16>
    %dot_general3A_136 = arith.constant dense<0.000000e+00> : vector<3248x128xf32>
    %dot_general3A_137 = tpu.matmul %max3A_130, %get3A_135, %dot_general3A_136 {dimension_numbers = #tpu.dot_dimension_numbers<[1], [0], [0], [1], [0, 0, 1, 1], [], []>, transpose_lhs_hint = false} : vector<3248x64xf32>, vector<64x128xbf16>, vector<3248x128xf32> -> vector<3248x128xf32>
    %add3A_138 = arith.addf %add3A_122, %dot_general3A_137 : vector<3248x128xf32>
    %get3A_139 = arith.constant 0 : index
    %get3A_140 = arith.constant 0 : index
    %get3A_141 = vector.load %arg4[%get3A_139, %get3A_140] : memref<1x128xf32, #tpu.memory_space<vmem>>, vector<1x128xf32>
    %add3A_142 = vector.broadcast %get3A_141 : vector<1x128xf32> to vector<3248x128xf32>
    %add3A_143 = arith.addf %add3A_138, %add3A_142 : vector<3248x128xf32>
    %swap3A = arith.constant 0 : index
    %swap3A_144 = arith.constant 0 : index
    %swap3A_145 = arith.constant 0 : index
    %swap3A_146 = vector.load %arg5[%swap3A, %swap3A_144, %swap3A_145] : memref<1x3248x128xf32, #tpu.memory_space<vmem>>, vector<1x3248x128xf32>
    %swap3A_147 = vector.shape_cast %swap3A_146 : vector<1x3248x128xf32> to vector<3248x128xf32>
    %swap3A_148 = vector.shape_cast %add3A_143 : vector<3248x128xf32> to vector<1x3248x128xf32>
    tpu.vector_store %arg5[%swap3A, %swap3A_144, %swap3A_145], %swap3A_148 {strides = array<i32>} : memref<1x3248x128xf32, #tpu.memory_space<vmem>>, vector<1x3248x128xf32>,
    return
  }
  func.func @transform_0(%arg0: i32, %arg1: i32) -> (i32, i32, i32) {
    %c0_i32 = arith.constant 0 : i32
    %c0_i32_0 = arith.constant 0 : i32
    %c0_i32_1 = arith.constant 0 : i32
    return %arg0, %c0_i32, %c0_i32_0 : i32, i32, i32
  }
  func.func @transform_1(%arg0: i32, %arg1: i32) -> (i32, i32, i32) {
    %c0_i32 = arith.constant 0 : i32
    %c0_i32_0 = arith.constant 0 : i32
    %c0_i32_1 = arith.constant 0 : i32
    %c0_i32_2 = arith.constant 0 : i32
    return %c0_i32, %c0_i32_0, %c0_i32_1 : i32, i32, i32
  }
  func.func @transform_2(%arg0: i32, %arg1: i32) -> (i32, i32) {
    %c0_i32 = arith.constant 0 : i32
    %c0_i32_0 = arith.constant 0 : i32
    %c0_i32_1 = arith.constant 0 : i32
    return %c0_i32, %c0_i32_0 : i32, i32
  }
  func.func @transform_3(%arg0: i32, %arg1: i32) -> (i32, i32, i32) {
    %c0_i32 = arith.constant 0 : i32
    %c0_i32_0 = arith.constant 0 : i32
    return %arg0, %arg1, %c0_i32 : i32, i32, i32
  }
}

module attributes {stable_mosaic.version = 14 : i64} {
  func.func @body(%arg0: i32, %arg1: i32, %arg2: memref<1x13040x32xf32, #tpu.memory_space<vmem>>, %arg3: memref<1x800x12xf32, #tpu.memory_space<vmem>>, %arg4: memref<9x32x12xbf16, #tpu.memory_space<vmem>>, %arg5: memref<1x12xf32, #tpu.memory_space<vmem>>, %arg6: memref<1x800x12xf32, #tpu.memory_space<vmem>>, %arg7: memref<8x128xf32, #tpu.memory_space<vmem>>) attributes {dimension_semantics = [#tpu.dimension_semantics<arbitrary>, #tpu.dimension_semantics<arbitrary>], iteration_bounds = array<i64: 8, 16>, scalar_prefetch = 0 : i64, scratch_operands = 0 : i64, tpu.core_type = #tpu.core_type<tc>, window_params = [{transform_indices = @transform_0, window_bounds = array<i64: 1, 13040, 32>}, {transform_indices = @transform_1, window_bounds = array<i64: 1, 800, 12>}, {pipeline_mode = #tpu.pipeline_mode<synchronous>, transform_indices = @transform_2, window_bounds = array<i64: 9, 32, 12>}, {pipeline_mode = #tpu.pipeline_mode<synchronous>, transform_indices = @transform_3, window_bounds = array<i64: 1, 12>}, {transform_indices = @transform_4, window_bounds = array<i64: 1, 800, 12>}, {pipeline_mode = #tpu.pipeline_mode<synchronous>, transform_indices = @transform_5, window_bounds = array<i64: 8, 128>}]} {
    %mul3A = arith.constant 800 : i32
    %mul3A_0 = arith.muli %arg1, %mul3A : i32
    %add3A = arith.constant 0 : i32
    %add3A_1 = arith.addi %mul3A_0, %add3A : i32
    %multiple_of3A = tpu.assume_multiple %add3A_1, 8 : i32
    %get3A = arith.constant 0 : index
    %get3A_2 = arith.index_cast %multiple_of3A : i32 to index
    %get3A_3 = arith.constant 0 : index
    %get3A_4 = vector.load %arg2[%get3A, %get3A_2, %get3A_3] : memref<1x13040x32xf32, #tpu.memory_space<vmem>>, vector<1x808x32xf32>
    %get3A_5 = vector.shape_cast %get3A_4 : vector<1x808x32xf32> to vector<808x32xf32>
    %slice3A = vector.extract_strided_slice %get3A_5 {offsets = [0, 0], sizes = [800, 32], strides = [1, 1]} : vector<808x32xf32> to vector<800x32xf32>
    %max3A = arith.constant 0.000000e+00 : f32
    %max3A_6 = vector.broadcast %max3A : f32 to vector<800x32xf32>
    %max3A_7 = arith.maximumf %slice3A, %max3A_6 : vector<800x32xf32>
    %get3A_8 = arith.constant 0 : index
    %get3A_9 = arith.constant 0 : index
    %get3A_10 = arith.constant 0 : index
    %get3A_11 = vector.load %arg4[%get3A_8, %get3A_9, %get3A_10] : memref<9x32x12xbf16, #tpu.memory_space<vmem>>, vector<1x32x12xbf16>
    %get3A_12 = vector.shape_cast %get3A_11 : vector<1x32x12xbf16> to vector<32x12xbf16>
    %dot_general3A = arith.constant dense<0.000000e+00> : vector<800x12xf32>
    %dot_general3A_13 = tpu.matmul %max3A_7, %get3A_12, %dot_general3A {dimension_numbers = #tpu.dot_dimension_numbers<[1], [0], [0], [1], [0, 0, 1, 1], [], []>, transpose_lhs_hint = false} : vector<800x32xf32>, vector<32x12xbf16>, vector<800x12xf32> -> vector<800x12xf32>
    %add3A_14 = arith.constant 0 : i32
    %add3A_15 = arith.addi %mul3A_0, %add3A_14 : i32
    %multiple_of3A_16 = tpu.assume_multiple %add3A_15, 8 : i32
    %get3A_17 = arith.constant 0 : index
    %get3A_18 = arith.index_cast %multiple_of3A_16 : i32 to index
    %get3A_19 = arith.constant 0 : index
    %get3A_20 = vector.load %arg2[%get3A_17, %get3A_18, %get3A_19] : memref<1x13040x32xf32, #tpu.memory_space<vmem>>, vector<1x808x32xf32>
    %get3A_21 = vector.shape_cast %get3A_20 : vector<1x808x32xf32> to vector<808x32xf32>
    %slice3A_22 = vector.extract_strided_slice %get3A_21 {offsets = [1, 0], sizes = [800, 32], strides = [1, 1]} : vector<808x32xf32> to vector<800x32xf32>
    %max3A_23 = arith.constant 0.000000e+00 : f32
    %max3A_24 = vector.broadcast %max3A_23 : f32 to vector<800x32xf32>
    %max3A_25 = arith.maximumf %slice3A_22, %max3A_24 : vector<800x32xf32>
    %get3A_26 = arith.constant 1 : index
    %get3A_27 = arith.constant 0 : index
    %get3A_28 = arith.constant 0 : index
    %get3A_29 = vector.load %arg4[%get3A_26, %get3A_27, %get3A_28] : memref<9x32x12xbf16, #tpu.memory_space<vmem>>, vector<1x32x12xbf16>
    %get3A_30 = vector.shape_cast %get3A_29 : vector<1x32x12xbf16> to vector<32x12xbf16>
    %dot_general3A_31 = arith.constant dense<0.000000e+00> : vector<800x12xf32>
    %dot_general3A_32 = tpu.matmul %max3A_25, %get3A_30, %dot_general3A_31 {dimension_numbers = #tpu.dot_dimension_numbers<[1], [0], [0], [1], [0, 0, 1, 1], [], []>, transpose_lhs_hint = false} : vector<800x32xf32>, vector<32x12xbf16>, vector<800x12xf32> -> vector<800x12xf32>
    %add3A_33 = arith.addf %dot_general3A_13, %dot_general3A_32 : vector<800x12xf32>
    %add3A_34 = arith.constant 0 : i32
    %add3A_35 = arith.addi %mul3A_0, %add3A_34 : i32
    %multiple_of3A_36 = tpu.assume_multiple %add3A_35, 8 : i32
    %get3A_37 = arith.constant 0 : index
    %get3A_38 = arith.index_cast %multiple_of3A_36 : i32 to index
    %get3A_39 = arith.constant 0 : index
    %get3A_40 = vector.load %arg2[%get3A_37, %get3A_38, %get3A_39] : memref<1x13040x32xf32, #tpu.memory_space<vmem>>, vector<1x808x32xf32>
    %get3A_41 = vector.shape_cast %get3A_40 : vector<1x808x32xf32> to vector<808x32xf32>
    %slice3A_42 = vector.extract_strided_slice %get3A_41 {offsets = [2, 0], sizes = [800, 32], strides = [1, 1]} : vector<808x32xf32> to vector<800x32xf32>
    %max3A_43 = arith.constant 0.000000e+00 : f32
    %max3A_44 = vector.broadcast %max3A_43 : f32 to vector<800x32xf32>
    %max3A_45 = arith.maximumf %slice3A_42, %max3A_44 : vector<800x32xf32>
    %get3A_46 = arith.constant 2 : index
    %get3A_47 = arith.constant 0 : index
    %get3A_48 = arith.constant 0 : index
    %get3A_49 = vector.load %arg4[%get3A_46, %get3A_47, %get3A_48] : memref<9x32x12xbf16, #tpu.memory_space<vmem>>, vector<1x32x12xbf16>
    %get3A_50 = vector.shape_cast %get3A_49 : vector<1x32x12xbf16> to vector<32x12xbf16>
    %dot_general3A_51 = arith.constant dense<0.000000e+00> : vector<800x12xf32>
    %dot_general3A_52 = tpu.matmul %max3A_45, %get3A_50, %dot_general3A_51 {dimension_numbers = #tpu.dot_dimension_numbers<[1], [0], [0], [1], [0, 0, 1, 1], [], []>, transpose_lhs_hint = false} : vector<800x32xf32>, vector<32x12xbf16>, vector<800x12xf32> -> vector<800x12xf32>
    %add3A_53 = arith.addf %add3A_33, %dot_general3A_52 : vector<800x12xf32>
    %add3A_54 = arith.constant 112 : i32
    %add3A_55 = arith.addi %mul3A_0, %add3A_54 : i32
    %multiple_of3A_56 = tpu.assume_multiple %add3A_55, 8 : i32
    %get3A_57 = arith.constant 0 : index
    %get3A_58 = arith.index_cast %multiple_of3A_56 : i32 to index
    %get3A_59 = arith.constant 0 : index
    %get3A_60 = vector.load %arg2[%get3A_57, %get3A_58, %get3A_59] : memref<1x13040x32xf32, #tpu.memory_space<vmem>>, vector<1x808x32xf32>
    %get3A_61 = vector.shape_cast %get3A_60 : vector<1x808x32xf32> to vector<808x32xf32>
    %slice3A_62 = vector.extract_strided_slice %get3A_61 {offsets = [2, 0], sizes = [800, 32], strides = [1, 1]} : vector<808x32xf32> to vector<800x32xf32>
    %max3A_63 = arith.constant 0.000000e+00 : f32
    %max3A_64 = vector.broadcast %max3A_63 : f32 to vector<800x32xf32>
    %max3A_65 = arith.maximumf %slice3A_62, %max3A_64 : vector<800x32xf32>
    %get3A_66 = arith.constant 3 : index
    %get3A_67 = arith.constant 0 : index
    %get3A_68 = arith.constant 0 : index
    %get3A_69 = vector.load %arg4[%get3A_66, %get3A_67, %get3A_68] : memref<9x32x12xbf16, #tpu.memory_space<vmem>>, vector<1x32x12xbf16>
    %get3A_70 = vector.shape_cast %get3A_69 : vector<1x32x12xbf16> to vector<32x12xbf16>
    %dot_general3A_71 = arith.constant dense<0.000000e+00> : vector<800x12xf32>
    %dot_general3A_72 = tpu.matmul %max3A_65, %get3A_70, %dot_general3A_71 {dimension_numbers = #tpu.dot_dimension_numbers<[1], [0], [0], [1], [0, 0, 1, 1], [], []>, transpose_lhs_hint = false} : vector<800x32xf32>, vector<32x12xbf16>, vector<800x12xf32> -> vector<800x12xf32>
    %add3A_73 = arith.addf %add3A_53, %dot_general3A_72 : vector<800x12xf32>
    %add3A_74 = arith.constant 112 : i32
    %add3A_75 = arith.addi %mul3A_0, %add3A_74 : i32
    %multiple_of3A_76 = tpu.assume_multiple %add3A_75, 8 : i32
    %get3A_77 = arith.constant 0 : index
    %get3A_78 = arith.index_cast %multiple_of3A_76 : i32 to index
    %get3A_79 = arith.constant 0 : index
    %get3A_80 = vector.load %arg2[%get3A_77, %get3A_78, %get3A_79] : memref<1x13040x32xf32, #tpu.memory_space<vmem>>, vector<1x808x32xf32>
    %get3A_81 = vector.shape_cast %get3A_80 : vector<1x808x32xf32> to vector<808x32xf32>
    %slice3A_82 = vector.extract_strided_slice %get3A_81 {offsets = [3, 0], sizes = [800, 32], strides = [1, 1]} : vector<808x32xf32> to vector<800x32xf32>
    %max3A_83 = arith.constant 0.000000e+00 : f32
    %max3A_84 = vector.broadcast %max3A_83 : f32 to vector<800x32xf32>
    %max3A_85 = arith.maximumf %slice3A_82, %max3A_84 : vector<800x32xf32>
    %get3A_86 = arith.constant 4 : index
    %get3A_87 = arith.constant 0 : index
    %get3A_88 = arith.constant 0 : index
    %get3A_89 = vector.load %arg4[%get3A_86, %get3A_87, %get3A_88] : memref<9x32x12xbf16, #tpu.memory_space<vmem>>, vector<1x32x12xbf16>
    %get3A_90 = vector.shape_cast %get3A_89 : vector<1x32x12xbf16> to vector<32x12xbf16>
    %dot_general3A_91 = arith.constant dense<0.000000e+00> : vector<800x12xf32>
    %dot_general3A_92 = tpu.matmul %max3A_85, %get3A_90, %dot_general3A_91 {dimension_numbers = #tpu.dot_dimension_numbers<[1], [0], [0], [1], [0, 0, 1, 1], [], []>, transpose_lhs_hint = false} : vector<800x32xf32>, vector<32x12xbf16>, vector<800x12xf32> -> vector<800x12xf32>
    %add3A_93 = arith.addf %add3A_73, %dot_general3A_92 : vector<800x12xf32>
    %add3A_94 = arith.constant 112 : i32
    %add3A_95 = arith.addi %mul3A_0, %add3A_94 : i32
    %multiple_of3A_96 = tpu.assume_multiple %add3A_95, 8 : i32
    %get3A_97 = arith.constant 0 : index
    %get3A_98 = arith.index_cast %multiple_of3A_96 : i32 to index
    %get3A_99 = arith.constant 0 : index
    %get3A_100 = vector.load %arg2[%get3A_97, %get3A_98, %get3A_99] : memref<1x13040x32xf32, #tpu.memory_space<vmem>>, vector<1x808x32xf32>
    %get3A_101 = vector.shape_cast %get3A_100 : vector<1x808x32xf32> to vector<808x32xf32>
    %slice3A_102 = vector.extract_strided_slice %get3A_101 {offsets = [4, 0], sizes = [800, 32], strides = [1, 1]} : vector<808x32xf32> to vector<800x32xf32>
    %max3A_103 = arith.constant 0.000000e+00 : f32
    %max3A_104 = vector.broadcast %max3A_103 : f32 to vector<800x32xf32>
    %max3A_105 = arith.maximumf %slice3A_102, %max3A_104 : vector<800x32xf32>
    %get3A_106 = arith.constant 5 : index
    %get3A_107 = arith.constant 0 : index
    %get3A_108 = arith.constant 0 : index
    %get3A_109 = vector.load %arg4[%get3A_106, %get3A_107, %get3A_108] : memref<9x32x12xbf16, #tpu.memory_space<vmem>>, vector<1x32x12xbf16>
    %get3A_110 = vector.shape_cast %get3A_109 : vector<1x32x12xbf16> to vector<32x12xbf16>
    %dot_general3A_111 = arith.constant dense<0.000000e+00> : vector<800x12xf32>
    %dot_general3A_112 = tpu.matmul %max3A_105, %get3A_110, %dot_general3A_111 {dimension_numbers = #tpu.dot_dimension_numbers<[1], [0], [0], [1], [0, 0, 1, 1], [], []>, transpose_lhs_hint = false} : vector<800x32xf32>, vector<32x12xbf16>, vector<800x12xf32> -> vector<800x12xf32>
    %add3A_113 = arith.addf %add3A_93, %dot_general3A_112 : vector<800x12xf32>
    %add3A_114 = arith.constant 224 : i32
    %add3A_115 = arith.addi %mul3A_0, %add3A_114 : i32
    %multiple_of3A_116 = tpu.assume_multiple %add3A_115, 8 : i32
    %get3A_117 = arith.constant 0 : index
    %get3A_118 = arith.index_cast %multiple_of3A_116 : i32 to index
    %get3A_119 = arith.constant 0 : index
    %get3A_120 = vector.load %arg2[%get3A_117, %get3A_118, %get3A_119] : memref<1x13040x32xf32, #tpu.memory_space<vmem>>, vector<1x808x32xf32>
    %get3A_121 = vector.shape_cast %get3A_120 : vector<1x808x32xf32> to vector<808x32xf32>
    %slice3A_122 = vector.extract_strided_slice %get3A_121 {offsets = [4, 0], sizes = [800, 32], strides = [1, 1]} : vector<808x32xf32> to vector<800x32xf32>
    %max3A_123 = arith.constant 0.000000e+00 : f32
    %max3A_124 = vector.broadcast %max3A_123 : f32 to vector<800x32xf32>
    %max3A_125 = arith.maximumf %slice3A_122, %max3A_124 : vector<800x32xf32>
    %get3A_126 = arith.constant 6 : index
    %get3A_127 = arith.constant 0 : index
    %get3A_128 = arith.constant 0 : index
    %get3A_129 = vector.load %arg4[%get3A_126, %get3A_127, %get3A_128] : memref<9x32x12xbf16, #tpu.memory_space<vmem>>, vector<1x32x12xbf16>
    %get3A_130 = vector.shape_cast %get3A_129 : vector<1x32x12xbf16> to vector<32x12xbf16>
    %dot_general3A_131 = arith.constant dense<0.000000e+00> : vector<800x12xf32>
    %dot_general3A_132 = tpu.matmul %max3A_125, %get3A_130, %dot_general3A_131 {dimension_numbers = #tpu.dot_dimension_numbers<[1], [0], [0], [1], [0, 0, 1, 1], [], []>, transpose_lhs_hint = false} : vector<800x32xf32>, vector<32x12xbf16>, vector<800x12xf32> -> vector<800x12xf32>
    %add3A_133 = arith.addf %add3A_113, %dot_general3A_132 : vector<800x12xf32>
    %add3A_134 = arith.constant 224 : i32
    %add3A_135 = arith.addi %mul3A_0, %add3A_134 : i32
    %multiple_of3A_136 = tpu.assume_multiple %add3A_135, 8 : i32
    %get3A_137 = arith.constant 0 : index
    %get3A_138 = arith.index_cast %multiple_of3A_136 : i32 to index
    %get3A_139 = arith.constant 0 : index
    %get3A_140 = vector.load %arg2[%get3A_137, %get3A_138, %get3A_139] : memref<1x13040x32xf32, #tpu.memory_space<vmem>>, vector<1x808x32xf32>
    %get3A_141 = vector.shape_cast %get3A_140 : vector<1x808x32xf32> to vector<808x32xf32>
    %slice3A_142 = vector.extract_strided_slice %get3A_141 {offsets = [5, 0], sizes = [800, 32], strides = [1, 1]} : vector<808x32xf32> to vector<800x32xf32>
    %max3A_143 = arith.constant 0.000000e+00 : f32
    %max3A_144 = vector.broadcast %max3A_143 : f32 to vector<800x32xf32>
    %max3A_145 = arith.maximumf %slice3A_142, %max3A_144 : vector<800x32xf32>
    %get3A_146 = arith.constant 7 : index
    %get3A_147 = arith.constant 0 : index
    %get3A_148 = arith.constant 0 : index
    %get3A_149 = vector.load %arg4[%get3A_146, %get3A_147, %get3A_148] : memref<9x32x12xbf16, #tpu.memory_space<vmem>>, vector<1x32x12xbf16>
    %get3A_150 = vector.shape_cast %get3A_149 : vector<1x32x12xbf16> to vector<32x12xbf16>
    %dot_general3A_151 = arith.constant dense<0.000000e+00> : vector<800x12xf32>
    %dot_general3A_152 = tpu.matmul %max3A_145, %get3A_150, %dot_general3A_151 {dimension_numbers = #tpu.dot_dimension_numbers<[1], [0], [0], [1], [0, 0, 1, 1], [], []>, transpose_lhs_hint = false} : vector<800x32xf32>, vector<32x12xbf16>, vector<800x12xf32> -> vector<800x12xf32>
    %add3A_153 = arith.addf %add3A_133, %dot_general3A_152 : vector<800x12xf32>
    %add3A_154 = arith.constant 224 : i32
    %add3A_155 = arith.addi %mul3A_0, %add3A_154 : i32
    %multiple_of3A_156 = tpu.assume_multiple %add3A_155, 8 : i32
    %get3A_157 = arith.constant 0 : index
    %get3A_158 = arith.index_cast %multiple_of3A_156 : i32 to index
    %get3A_159 = arith.constant 0 : index
    %get3A_160 = vector.load %arg2[%get3A_157, %get3A_158, %get3A_159] : memref<1x13040x32xf32, #tpu.memory_space<vmem>>, vector<1x808x32xf32>
    %get3A_161 = vector.shape_cast %get3A_160 : vector<1x808x32xf32> to vector<808x32xf32>
    %slice3A_162 = vector.extract_strided_slice %get3A_161 {offsets = [6, 0], sizes = [800, 32], strides = [1, 1]} : vector<808x32xf32> to vector<800x32xf32>
    %max3A_163 = arith.constant 0.000000e+00 : f32
    %max3A_164 = vector.broadcast %max3A_163 : f32 to vector<800x32xf32>
    %max3A_165 = arith.maximumf %slice3A_162, %max3A_164 : vector<800x32xf32>
    %get3A_166 = arith.constant 8 : index
    %get3A_167 = arith.constant 0 : index
    %get3A_168 = arith.constant 0 : index
    %get3A_169 = vector.load %arg4[%get3A_166, %get3A_167, %get3A_168] : memref<9x32x12xbf16, #tpu.memory_space<vmem>>, vector<1x32x12xbf16>
    %get3A_170 = vector.shape_cast %get3A_169 : vector<1x32x12xbf16> to vector<32x12xbf16>
    %dot_general3A_171 = arith.constant dense<0.000000e+00> : vector<800x12xf32>
    %dot_general3A_172 = tpu.matmul %max3A_165, %get3A_170, %dot_general3A_171 {dimension_numbers = #tpu.dot_dimension_numbers<[1], [0], [0], [1], [0, 0, 1, 1], [], []>, transpose_lhs_hint = false} : vector<800x32xf32>, vector<32x12xbf16>, vector<800x12xf32> -> vector<800x12xf32>
    %add3A_173 = arith.addf %add3A_153, %dot_general3A_172 : vector<800x12xf32>
    %get3A_174 = arith.constant 0 : index
    %get3A_175 = arith.constant 0 : index
    %get3A_176 = vector.load %arg5[%get3A_174, %get3A_175] : memref<1x12xf32, #tpu.memory_space<vmem>>, vector<1x12xf32>
    %add3A_177 = vector.broadcast %get3A_176 : vector<1x12xf32> to vector<800x12xf32>
    %add3A_178 = arith.addf %add3A_173, %add3A_177 : vector<800x12xf32>
    %swap3A = arith.constant 0 : index
    %swap3A_179 = arith.constant 0 : index
    %swap3A_180 = arith.constant 0 : index
    %swap3A_181 = vector.load %arg6[%swap3A, %swap3A_179, %swap3A_180] : memref<1x800x12xf32, #tpu.memory_space<vmem>>, vector<1x800x12xf32>
    %swap3A_182 = vector.shape_cast %swap3A_181 : vector<1x800x12xf32> to vector<800x12xf32>
    %swap3A_183 = vector.shape_cast %add3A_178 : vector<800x12xf32> to vector<1x800x12xf32>
    tpu.vector_store %arg6[%swap3A, %swap3A_179, %swap3A_180], %swap3A_183 {strides = array<i32>} : memref<1x800x12xf32, #tpu.memory_space<vmem>>, vector<1x800x12xf32>,
    %iota3A = tpu.iota {dimensions = array<i32: 0>} : vector<800x1xi32>
    %add3A_184 = vector.broadcast %mul3A_0 : i32 to vector<800x1xi32>
    %add3A_185 = arith.addi %iota3A, %add3A_184 : vector<800x1xi32>
    %jit3A = arith.constant 114 : i32
    %eq3A = arith.constant 0 : i32
    %eq3A_186 = arith.cmpi eq, %jit3A, %eq3A : i32
    %jit3A_187 = arith.constant 1 : i32
    %select_n3A = arith.select %eq3A_186, %jit3A_187, %jit3A : i32
    %rem3A = vector.broadcast %select_n3A : i32 to vector<800x1xi32>
    %rem3A_188 = arith.remsi %add3A_185, %rem3A : vector<800x1xi32>
    %ne3A = arith.constant 0 : i32
    %ne3A_189 = vector.broadcast %ne3A : i32 to vector<800x1xi32>
    %ne3A_190 = arith.cmpi ne, %rem3A_188, %ne3A_189 : vector<800x1xi32>
    %lt3A = arith.constant 0 : i32
    %lt3A_191 = vector.broadcast %lt3A : i32 to vector<800x1xi32>
    %lt3A_192 = arith.cmpi slt, %rem3A_188, %lt3A_191 : vector<800x1xi32>
    %lt3A_193 = arith.constant 0 : i32
    %lt3A_194 = arith.cmpi slt, %select_n3A, %lt3A_193 : i32
    %ne3A_195 = vector.broadcast %lt3A_194 : i1 to vector<800x1xi1>
    %ne3A_196 = vector.broadcast %ne3A_195 : vector<800x1xi1> to vector<800x1xi1>
    %ne3A_197 = arith.xori %lt3A_192, %ne3A_196 : vector<800x1xi1>
    %and3A = arith.andi %ne3A_197, %ne3A_190 : vector<800x1xi1>
    %add3A_198 = vector.broadcast %select_n3A : i32 to vector<800x1xi32>
    %add3A_199 = arith.addi %rem3A_188, %add3A_198 : vector<800x1xi32>
    %select_n3A_200 = arith.select %and3A, %add3A_199, %rem3A_188 : vector<800x1xi1>, vector<800x1xi32>
    %lt3A_201 = arith.constant 112 : i32
    %lt3A_202 = vector.broadcast %lt3A_201 : i32 to vector<800x1xi32>
    %lt3A_203 = arith.cmpi slt, %select_n3A_200, %lt3A_202 : vector<800x1xi32>
    %lt3A_204 = arith.constant 12768 : i32
    %lt3A_205 = vector.broadcast %lt3A_204 : i32 to vector<800x1xi32>
    %lt3A_206 = arith.cmpi slt, %add3A_185, %lt3A_205 : vector<800x1xi32>
    %and3A_207 = arith.andi %lt3A_203, %lt3A_206 : vector<800x1xi1>
    %convert_element_type3A = arith.extui %and3A_207 : vector<800x1xi1> to vector<800x1xi32>
    %convert_element_type3A_208 = arith.sitofp %convert_element_type3A : vector<800x1xi32> to vector<800x1xf32>
    %get3A_209 = arith.constant 0 : index
    %get3A_210 = arith.constant 0 : index
    %get3A_211 = arith.constant 0 : index
    %get3A_212 = vector.load %arg3[%get3A_209, %get3A_210, %get3A_211] : memref<1x800x12xf32, #tpu.memory_space<vmem>>, vector<1x800x12xf32>
    %get3A_213 = vector.shape_cast %get3A_212 : vector<1x800x12xf32> to vector<800x12xf32>
    %sub3A = arith.subf %add3A_178, %get3A_213 : vector<800x12xf32>
    %mul3A_214 = vector.broadcast %convert_element_type3A_208 : vector<800x1xf32> to vector<800x12xf32>
    %mul3A_215 = arith.mulf %sub3A, %mul3A_214 : vector<800x12xf32>
    %mul3A_216 = arith.mulf %mul3A_215, %mul3A_215 : vector<800x12xf32>
    %reduce_sum3A = vector.shape_cast %mul3A_216 : vector<800x12xf32> to vector<1x800x12xf32>
    %reduce_sum3A_217 = arith.constant dense<0.000000e+00> : vector<1xf32>
    %reduce_sum3A_218 = vector.multi_reduction <add>, %reduce_sum3A, %reduce_sum3A_217 [1, 2] : vector<1x800x12xf32> to vector<1xf32>
    %reduce_sum3A_219 = vector.shape_cast %reduce_sum3A_218 : vector<1xf32> to vector<1x1x1xf32>
    %reduce_sum3A_220 = vector.extract %reduce_sum3A_219[0, 0, 0] : f32 from vector<1x1x1xf32>
    %eq3A_221 = arith.constant 0 : i32
    %eq3A_222 = arith.cmpi eq, %arg0, %eq3A_221 : i32
    %eq3A_223 = arith.constant 0 : i32
    %eq3A_224 = arith.cmpi eq, %arg1, %eq3A_223 : i32
    %and3A_225 = arith.andi %eq3A_222, %eq3A_224 : i1
    %convert_element_type3A_226 = arith.extui %and3A_225 : i1 to i32
    %cond3A = arith.constant 0 : i32
    %cond3A_227 = arith.cmpi ne, %convert_element_type3A_226, %cond3A : i32
    scf.if %cond3A_227 {
      %broadcast_in_dim3A_235 = arith.constant 0.000000e+00 : f32
      %broadcast_in_dim3A_236 = vector.broadcast %broadcast_in_dim3A_235 : f32 to vector<8x128xf32>
      %swap3A_237 = arith.constant 0 : index
      %swap3A_238 = arith.constant 0 : index
      %swap3A_239 = vector.load %arg7[%swap3A_237, %swap3A_238] : memref<8x128xf32, #tpu.memory_space<vmem>>, vector<8x128xf32>
      tpu.vector_store %arg7[%swap3A_237, %swap3A_238], %broadcast_in_dim3A_236 {strides = array<i32>} : memref<8x128xf32, #tpu.memory_space<vmem>>, vector<8x128xf32>,
    } else {
    }
    %get3A_228 = arith.constant 0 : index
    %get3A_229 = arith.constant 0 : index
    %get3A_230 = vector.load %arg7[%get3A_228, %get3A_229] : memref<8x128xf32, #tpu.memory_space<vmem>>, vector<8x128xf32>
    %broadcast_in_dim3A = vector.broadcast %reduce_sum3A_220 : f32 to vector<8x128xf32>
    %add3A_231 = arith.addf %get3A_230, %broadcast_in_dim3A : vector<8x128xf32>
    %swap3A_232 = arith.constant 0 : index
    %swap3A_233 = arith.constant 0 : index
    %swap3A_234 = vector.load %arg7[%swap3A_232, %swap3A_233] : memref<8x128xf32, #tpu.memory_space<vmem>>, vector<8x128xf32>
    tpu.vector_store %arg7[%swap3A_232, %swap3A_233], %add3A_231 {strides = array<i32>} : memref<8x128xf32, #tpu.memory_space<vmem>>, vector<8x128xf32>,
    return
  }
  func.func @transform_0(%arg0: i32, %arg1: i32) -> (i32, i32, i32) {
    %c0_i32 = arith.constant 0 : i32
    %c0_i32_0 = arith.constant 0 : i32
    %c0_i32_1 = arith.constant 0 : i32
    return %arg0, %c0_i32, %c0_i32_0 : i32, i32, i32
  }
  func.func @transform_1(%arg0: i32, %arg1: i32) -> (i32, i32, i32) {
    %c0_i32 = arith.constant 0 : i32
    %c0_i32_0 = arith.constant 0 : i32
    return %arg0, %arg1, %c0_i32 : i32, i32, i32
  }
  func.func @transform_2(%arg0: i32, %arg1: i32) -> (i32, i32, i32) {
    %c0_i32 = arith.constant 0 : i32
    %c0_i32_0 = arith.constant 0 : i32
    %c0_i32_1 = arith.constant 0 : i32
    %c0_i32_2 = arith.constant 0 : i32
    return %c0_i32, %c0_i32_0, %c0_i32_1 : i32, i32, i32
  }
  func.func @transform_3(%arg0: i32, %arg1: i32) -> (i32, i32) {
    %c0_i32 = arith.constant 0 : i32
    %c0_i32_0 = arith.constant 0 : i32
    %c0_i32_1 = arith.constant 0 : i32
    return %c0_i32, %c0_i32_0 : i32, i32
  }
  func.func @transform_4(%arg0: i32, %arg1: i32) -> (i32, i32, i32) {
    %c0_i32 = arith.constant 0 : i32
    %c0_i32_0 = arith.constant 0 : i32
    return %arg0, %arg1, %c0_i32 : i32, i32, i32
  }
  func.func @transform_5(%arg0: i32, %arg1: i32) -> (i32, i32) {
    %c0_i32 = arith.constant 0 : i32
    %c0_i32_0 = arith.constant 0 : i32
    %c0_i32_1 = arith.constant 0 : i32
    return %c0_i32, %c0_i32_0 : i32, i32
  }
}

</mosaic_0001>

<sc_bundles>
// kernel: kernel.16.cloned.1.call-start
scs
__scs_entry_jumppad:
0x0: {  	(pc) =	sbr.rel $0x88, $3  }
0x1: {  	(tag) =	ssettag $0x0;
	lr =	simm.s32 $0x1  }
0x2: {  	[smem:$0x3F8D] =	sst lr;
	_ =	strace $0xD0000000  }
0x3: {  	_ = 	snop  }
0x4: {  	_ = 	snop  }
0x5: {  	_ = 	snop  }
0x6: {  	_ = 	snop  }
0x7: {  	_ = 	snop  }
__scs_overlays_trampoline_lowered:
0x8: {  	[smem:$0x3F9C] =	sst s0  }
0x9: {  	[smem:$0x3F9D] =	sst s1  }
0xa: {  	[smem:$0x3F9E] =	sst s2  }
0xb: {  	[smem:$0x3F9F] =	sst s3  }
0xc: {  	[smem:$0x3FA0] =	sst s4  }
0xd: {  	[smem:$0x3FA1] =	sst s5  }
0xe: {  	[smem:$0x3FA2] =	sst s6  }
0xf: {  	[smem:$0x3FA3] =	sst s7  }
0x10: {  	[smem:$0x3FA4] =	sst s8  }
0x11: {  	[smem:$0x3FA5] =	sst s9;
	s0 =	simm.s32 @!p0 $0x0  }
0x12: {  	s1 =	sld [smem:$0x3F8B];
	s0 =	simm.s32 @p0 $0x1  }
0x13: {  	[smem:$0x3FA6] =	sst s0;
	s0 =	simm.s32 @!p1 $0x0  }
0x14: {  	s2 =	sld [smem:$0x3F8A];
	s0 =	simm.s32 @p1 $0x1  }
0x15: {  	[smem:$0x3FA7] =	sst s0;
	s0 =	simm.s32 @!p2 $0x0  }
0x16: {  	s3 =	sld [smem:$0x3FDB];
	s0 =	simm.s32 @p2 $0x1  }
0x17: {  	s4 =	simm.s32 $0x1BF5;
	[smem:$0x3FA9] =	sst s0  }
0x18: {  	s0 =	sld [smem:$0x3F8C];
	_ =	swait.ge [sflag:s4], $0x0  }
0x19: {  	s7 =	sld [smem:$0x3F8D]  }
0x1a: {  	s8 =	sadd.s32 $0xFFFFE003, lr  }
0x1b: {  	s9 =	sadd.s32 $0xFFFFFEF7, lr;
	s5 =	simm.s32 $0xFFFFFFFF;
	p2 =	slt.u32 s8, $0xFFFFF086  }
0x1c: {  	p1 =	slt.u32 s9, $0xF7A;
	s5 =	simm.s32 @!p2 $0x0  }
0x1d: {  	s5 =	simm.s32 @p1 $0x1;
	p0 =	seq.s32 s7, s2  }
0x1e: {  	s7 =	smul.u32 @!p0 $0xF7A, s2;
	p2 =	seq.s32 @!p0 s5, $0x0  }
0x1f: {  	s9 =	smul.u32 $0xF7A, s1;
	s8 =	simm.s32 @!p0 $0x1BF5;
	p2 =	por !p2, p0  }
0x20: {  	[sflag:s8] =	ssyncset.s32 @!p0 $0xFFFFF086;
	s6 =	sadd.s32 @!p0 s3, s7;
	s7 =	simm.s32 @!p0 $0x108  }
0x21: {  	s3 =	sadd.s32 s3, s9;
	s6 =	sadd.s32 @!p0 $0x88, s6;
	s7 =	simm.s32 @p2 $0x1082  }
0x22: {  	[simem:s7], [sflag:s8] =	dma.local @!p0 [hbm:s6], $0xF7A  }
0x23: {  	s9 =	sor.u32 $0xD0000000, s2;
	s6 =	simm.s32 $0x108;
	_ =	swait.ge @!p0 [sflag:s8], $0x0  }
0x24: {  	s3 =	sadd.s32 $0x88, s3;
	s6 =	simm.s32 @!p1 $0x1082;
	[sflag:s4] =	ssyncset.s32 $0xFFFFF086  }
0x25: {  	[simem:s6], [sflag:s4] =	dma.local [hbm:s3], $0xF7A  }
0x26: {  	[smem:$0x3F8D] =	sst s1;
	(tag) =	ssettag s2;
	_ =	strace s9  }
0x27: {  	s1 =	sld [smem:$0x3F9D]  }
0x28: {  	s2 =	sld [smem:$0x3F9E]  }
0x29: {  	s4 =	sld [smem:$0x3FA0]  }
0x2a: {  	p0 =	seq.s32 s5, $0x0;
	s5 =	sld [smem:$0x3FA1]  }
0x2b: {  	s6 =	sld [smem:$0x3FA2]  }
0x2c: {  	s7 =	sld [smem:$0x3FA3]  }
0x2d: {  	s3 =	simm.s32 $0x108;
	s8 =	sld [smem:$0x3FA4]  }
0x2e: {  	s3 =	simm.s32 @!p0 $0x1082;
	s9 =	sld [smem:$0x3FA5]  }
0x2f: {  	lr =	sadd.s32 s0, s3;
	s0 =	sld [smem:$0x3F9C]  }
0x30: {  	s3 =	sld [smem:$0x3F9F]  }
0x31: {  	[smem:$0x3FA8] =	sst s10  }
0x32: {  	s10 =	sld [smem:$0x3FA6];
	_ =	sdelay $0x3  }
0x33: {  	p0 =	seq.s32 s10, $0x1;
	s10 =	sld [smem:$0x3FA8];
	_ =	sdelay $0x3  }
0x34: {  	[smem:$0x3FA8] =	sst s10  }
0x35: {  	s10 =	sld [smem:$0x3FA7];
	_ =	sdelay $0x3  }
0x36: {  	p1 =	seq.s32 s10, $0x1;
	s10 =	sld [smem:$0x3FA8];
	_ =	sdelay $0x3  }
0x37: {  	[smem:$0x3FA8] =	sst s10  }
0x38: {  	s10 =	sld [smem:$0x3FA9]  }
0x39: {  	_ = 	snop;
	(pc) =	sbr.ind lr, $3  }
0x3a: {  	_ = 	snop  }
0x3b: {  	_ = 	snop  }
0x3c: {  	p2 =	seq.s32 s10, $0x1;
	s10 =	sld [smem:$0x3FA8]  }
0x3d: {  	_ =	shalt  }
0x3e: {  	_ =	shalt  }
0x3f: {  	_ =	shalt  }
0x40: {  	_ =	shalt  }
0x41: {  	_ =	shalt  }
0x42: {  	_ =	shalt  }
0x43: {  	_ =	shalt  }
0x44: {  	_ =	shalt  }
0x45: {  	_ =	shalt  }
0x46: {  	_ =	shalt  }
0x47: {  	_ =	shalt  }
0x48: {  	_ =	shalt  }
0x49: {  	_ =	shalt  }
0x4a: {  	_ =	shalt  }
0x4b: {  	_ =	shalt  }
0x4c: {  	_ =	shalt  }
0x4d: {  	_ =	shalt  }
0x4e: {  	_ =	shalt  }
0x4f: {  	_ =	shalt  }
0x50: {  	_ =	shalt  }
0x51: {  	_ =	shalt  }
0x52: {  	_ =	shalt  }
0x53: {  	_ =	shalt  }
0x54: {  	_ =	shalt  }
0x55: {  	_ =	shalt  }
0x56: {  	_ =	shalt  }
0x57: {  	_ =	shalt  }
0x58: {  	_ =	shalt  }
0x59: {  	_ =	shalt  }
0x5a: {  	_ =	shalt  }
0x5b: {  	_ =	shalt  }
0x5c: {  	_ =	shalt  }
0x5d: {  	_ =	shalt  }
0x5e: {  	_ =	shalt  }
0x5f: {  	_ =	shalt  }
0x60: {  	_ =	shalt  }
0x61: {  	_ =	shalt  }
0x62: {  	_ =	shalt  }
0x63: {  	_ =	shalt  }
0x64: {  	_ =	shalt  }
0x65: {  	_ =	shalt  }
0x66: {  	_ =	shalt  }
0x67: {  	_ =	shalt  }
0x68: {  	_ =	shalt  }
0x69: {  	_ =	shalt  }
0x6a: {  	_ =	shalt  }
0x6b: {  	_ =	shalt  }
0x6c: {  	_ =	shalt  }
0x6d: {  	_ =	shalt  }
0x6e: {  	_ =	shalt  }
0x6f: {  	_ =	shalt  }
0x70: {  	_ =	shalt  }
0x71: {  	_ =	shalt  }
0x72: {  	_ =	shalt  }
0x73: {  	_ =	shalt  }
0x74: {  	_ =	shalt  }
0x75: {  	_ =	shalt  }
0x76: {  	_ =	shalt  }
0x77: {  	_ =	shalt  }
0x78: {  	_ =	shalt  }
0x79: {  	_ =	shalt  }
0x7a: {  	_ =	shalt  }
0x7b: {  	_ =	shalt  }
0x7c: {  	_ =	shalt  }
0x7d: {  	_ =	shalt  }
0x7e: {  	_ =	shalt  }
0x7f: {  	_ =	shalt  }
0x80: {  	_ =	shalt  }
0x81: {  	_ =	shalt  }
0x82: {  	_ =	shalt  }
0x83: {  	_ =	shalt  }
0x84: {  	_ =	shalt  }
0x85: {  	_ =	shalt  }
0x86: {  	_ =	shalt  }
0x87: {  	_ =	shalt  }
.Lfunc_end0:
.L_simem_size_0:
called_computation_lowered:
.L_overlay_start_0:
0x88: {  	s2 =	sld [smem:$0x3FD9]  }
0x89: {  	s3 =	sld [smem:$0x3FFE];
	_ =	sdelay $0x1  }
0x8a: {  	s1 =	srdreg.scid  }
0x8b: {  	s0 =	sand.u32 $0x1, s1  }
0x8c: {  	s16 =	sshll.u32 s0, $0xA;
	s2 =	sadd.s32 s3, s2  }
0x8d: {  	s2 =	sadd.s32 s2, s16  }
0x8e: {  	[smem:$0x3FB4] =	sst s2  }
0x8f: {  	_ = 	snop  }
0x90: {  	(tm) =	ssettm $0x1  }
0x91: {  	s17 =	sld [smem:$0x3FFB];
	_ =	sdelay $0x3  }
0x92: {  	_ =	strace s17  }
0x93: {  	s2 =	sld [smem:$0x3FFC];
	_ =	sdelay $0x3  }
0x94: {  	_ =	strace s2  }
0x95: {  	s2 =	sld [smem:$0x3FFD];
	_ =	sdelay $0x3  }
0x96: {  	_ =	strace s2  }
0x97: {  	_ =	strace $0x8FFFFFFF  }
0x98: {  	s18 =	sld [smem:$0x3FDB];
	_ =	sdelay $0x1  }
0x99: {  	s19 =	simm.s32 $_scs_section_size  }
0x9a: {  	s4 =	simm.s32 $_size__tile_overlayer_lowered;
	s5 =	simm.s32 $_tile_overlayer_lowered  }
0x9b: {  	s22 =	simm.s32 $0x1BFF;
	s21 =	sshll.u32 s5, $0x1;
	s2 =	sadd.s32 s19, s18  }
0x9c: {  	s6 =	simm.s32 $0x0;
	s20 =	sshll.u32 s4, $0x1;
	s4 =	sadd.s32 s21, s2  }
0x9d: {  	[timem:s6], [sflag:s22] =	dma.local [hbm:s4], s20  }
0x9e: {  	_ =	swait.ge [sflag:s22], s20  }
0x9f: {  	s3 =	ssub.s32 $0x0, s20;
	[sflag:s22] =	ssyncset.done $0x0  }
0xa0: {  	[sflag:s22] =	ssyncadd.s32 s3;
	_ =	sdelay $0x1  }
0xa1: {  	s23 =	simm.s32 $0x1B8B  }
0xa2: {  	_ =	swait.ge [sflag:s23], $0x1  }
0xa3: {  	[sflag:s23] =	ssyncset.done $0x0  }
0xa4: {  	s25 =	simm.s32 $0x1B8E;
	s24 =	sld [smem:$0x3FFE];
	[sflag:s23] =	ssyncadd.s32 $0xFFFFFFFF  }
0xa5: {  	s26 =	simm.s32 $execute0_lowered;
	[smem:$0x3FD2] =	sst s25  }
0xa6: {  	s4 =	sshll.u32 s26, $0x1;
	_ =	strace $0x80000046;
	[dreg:$0x1] =	wrdreg $0xFFFFFFFF  }
0xa7: {  	s28 =	simm.s32 $_size_execute0_lowered;
	s2 =	sadd.s32 s2, s4;
	[dreg:$0x0] =	wrdreg $0x0  }
0xa8: {  	s4 =	sshll.u32 s28, $0x1;
	[dreg:$0x2] =	wrdreg s2  }
0xa9: {  	[dreg:$0x3] =	wrdreg s4  }
0xaa: {  	[dreg:$0x4] =	wrdreg $0xC0  }
0xab: {  	_ =	task [dreg:s6], $0x5FFFF  }
0xac: {  	[dreg:$0x1] =	wrdreg $0xFFFFFFFF  }
0xad: {  	[dreg:$0x0] =	wrdreg $0x60  }
0xae: {  	[dreg:$0x2] =	wrdreg s24  }
0xaf: {  	[dreg:$0x3] =	wrdreg $0x9  }
0xb0: {  	_ =	task.clear_ibuf [dreg:s6], $0x4FFFF;
	_ =	strace $0x90000046  }
0xb1: {  	s29 =	simm.s32 $0x9;
	_ =	strace $0x80000048  }
0xb2: {  	_ =	swait.ge [sflag:s29], $0x1  }
0xb3: {  	[sflag:s29] =	ssyncadd.s32 $0xFFFFFFFF  }
0xb4: {  	_ =	strace $0x90000048  }
0xb5: {  	_ =	sfence  }
0xb6: {  	s30 =	sld [smem:$0x0];
	_ =	sdelay $0x2  }
0xb7: {  	s31 =	sshll.u32 s1, $0xD;
	s1 =	sshrl.u32 s1, $0x2  }
0xb8: {  	s3 =	sand.u32 $0x4000, s31;
	s1 =	sadd.s32 s1, s30  }
0xb9: {  	s0 =	sor.u32 s3, s0;
	s1 =	sshll.u32 s1, $0x11  }
0xba: {  	s0 =	sor.u32 s1, s0  }
0xbb: {  	s0 =	sadd.s32 $0x8F2B, s0  }
0xbc: {  	[sflag:s0] =	ssyncadd.remote.s32 $0x1  }
0xbd: {  	_ =	sfence.sel $0xFFFF  }
0xbe: {  	[dreg:$0x0] =	wrdreg $0xFFFFFFFF;
	(pc) =	sbr.abs _section_cstart, $3  }
0xbf: {  	[dreg:$0x1] =	wrdreg $0xFFFFFFFF  }
0xc0: {  	_ =	task.clear_ibuf [dreg:s6], $0x2FFFF;
	_ =	strace $0x9FFFFFFF  }
0xc1: {  	(tm) =	ssettm $0x7FFFFFFF  }
tec
execute0_lowered:
.L_overlay_start_1:
0x0: {  	(tag) =	ssettag $0x1  }
0x1: {  	s1 =	srdreg.scid;
	s0 =	stileid.u32  }
0x2: {  	s6 =	sand.u32 $0x1, s1;
	s30 =	sshll.u32 s0, $0x1  }
0x3: {  	s9 =	rddreg [dreg:$0x0];
	s7 =	sor.u32 s6, s30  }
0x4: {  	s2 =	simm.s32 $0x0;
	s1 =	rddreg [dreg:$0x1];
	s3 =	smul.u32 $0x62, s7  }
0x5: {  	s8 =	simm.s32 $0x1;
	[smem:$0x7FF] =	sst s2;
	s5 =	sadd.s32 $0x25B600, s9  }
0x6: {  	_ =	strace $0x80000047;
	s11 =	ssub.s32 $0x2, s6;
	s3 =	sadd.s32 s3, s9  }
0x7: {  	s6 =	simm.s32 $0x310;
	s4 =	sadd.s32 $0x5400, s3;
	s3 =	simm.s32 $0x2  }
0x8: {  	[tilespmem:s2], [sflag:$0x2] =	stream.linear.gather [hbm4b:s4+s2], $0x310, $0x38;
	[tilespmem:$0x18B80] =	vst v63  }
0x9: {  	s10 =	smul.u32 $0x3100, s7;
	s12 =	sshrl.u32 s11, $0x1;
	_ =	swait.ge [sflag:s3], $0x310  }
0xa: {  	s7 =	simm.s32 $0x380;
	s31 =	ssub.s32 s11, s12;
	[sflag:s3] =	ssyncset.done $0x0  }
0xb: {  	s9 =	sadd.s32 s10, s9;
	s10 =	smax.u32 s31, $0x1;
	[sflag:s3] =	ssyncadd.s32 $0xFFFFFCF0  }
0xc: {  	[tilespmem:s7], [sflag:$0x1] =	stream.indirect.gather [hbm4b:s5+s6], $0x80, s2, s6, $0xb8;
	[tilespmem:$0x18B80] =	vst v63  }
0xd: {  	p0 =	sne.s32 s10, $0x1;
	_ =	swait.ge [sflag:s8], $0x18800  }
.Ltmp0:
0xe: {  	[sflag:s8] =	ssyncset.done $0x0;
	(pc) =	sbr.rel @!p0 .LBB2_2-.Ltmp0, $4  }
0xf: {  	s9 =	sadd.s32 $0x25D600, s9;
	[sflag:s8] =	ssyncadd.s32 $0xFFFE7800  }
0x10: {  	[hbm4b:s9+s2] =	stream.linear.scatter [tilespmem:s7], [sflag:$0x2], $0x18800, $0x38;
	[tilespmem:$0x18B80] =	vst v63  }
0x11: {  	_ =	swait.ge [sflag:s3], $0x18800  }
0x12: {  	s10 =	sadd.s32 $0xFFFFFFFF, s10;
	[sflag:s3] =	ssyncset.done $0x0  }
.LBB2_1:
0x13: {  	p0 =	sne.s32 s10, $0x1;
	s10 =	sadd.s32 $0xFFFFFFFF, s10;
	[sflag:s3] =	ssyncadd.s32 $0xFFFE7800  }
0x14: {  	[tilespmem:s2], [sflag:$0x2] =	stream.linear.gather [hbm4b:s4+s2], $0x310, $0x38;
	[tilespmem:$0x18B80] =	vst v63  }
0x15: {  	_ =	swait.ge [sflag:s3], $0x310  }
0x16: {  	[sflag:s3] =	ssyncset.done $0x0  }
0x17: {  	[sflag:s3] =	ssyncadd.s32 $0xFFFFFCF0  }
0x18: {  	[tilespmem:s7], [sflag:$0x1] =	stream.indirect.gather [hbm4b:s5+s6], $0x80, s2, s6, $0xb8;
	[tilespmem:$0x18B80] =	vst v63  }
0x19: {  	_ =	swait.ge [sflag:s8], $0x18800  }
.Ltmp1:
0x1a: {  	[sflag:s8] =	ssyncset.done $0x0;
	(pc) =	sbr.rel @p0 .LBB2_1-.Ltmp1, $4  }
0x1b: {  	[sflag:s8] =	ssyncadd.s32 $0xFFFE7800  }
0x1c: {  	[hbm4b:s9+s2] =	stream.linear.scatter [tilespmem:s7], [sflag:$0x2], $0x18800, $0x38;
	[tilespmem:$0x18B80] =	vst v63  }
0x1d: {  	_ =	swait.ge [sflag:s3], $0x18800  }
0x1e: {  	[sflag:s3] =	ssyncset.done $0x0  }
.LBB2_2:
0x1f: {  	[sflag:s3] =	ssyncadd.s32 $0xFFFE7800  }
0x20: {  	_ =	sfence.sel $0x180000  }
0x21: {  	[bflag:$0x0] =	sbarrier.arrive $0xFFFF  }
0x22: {  	p0 =	sne.s32 s0, $0x0;
	_ =	strace $0x90000047  }
0x23: {  	s0 =	sadd.s32 @!p0 $0x100000, s1;
	[bflag:$0x2] =	sbarrier.arrive $0xFFFF  }
0x24: {  	[sflag:s0] =	ssyncadd.tile.s32 @!p0 $0x1;
	_ =	shalt  }
.Lfunc_end2:
_tile_overlayer_lowered:
.L_overlay_start_2:
0x25: {  	(tag) =	ssettag $0x2  }
0x26: {  	s0 =	rddreg [dreg:$0x0];
	s2 =	stileid.u32  }
0x27: {  	s1 =	rddreg [dreg:$0x1];
	p0 =	sne.s32 s2, $0x0  }
0x28: {  	s3 =	rddreg [dreg:$0x2];
	[bflag:$0x3] =	sbarrier.arrive $0xFFFF;
	s2 =	simm.s32 @!p0 $0x1C02  }
0x29: {  	[timem:s3], [sflag:s2] =	dma.local @!p0 [hbm:s0], s1  }
0x2a: {  	s0 =	simm.s32 @!p0 $0x2  }
0x2b: {  	_ =	swait.ge @!p0 [sflag:s0], s1  }
0x2c: {  	s1 =	ssub.s32 @!p0 $0x0, s1;
	[sflag:s0] =	ssyncset.done @!p0 $0x0  }
0x2d: {  	[sflag:s0] =	ssyncadd.s32 @!p0 s1  }
0x2e: {  	[bflag:$0x3] =	sbarrier.arrive $0xFFFF  }
0x2f: {  	_ =	shalt  }

</sc_bundles>
